<compile_context>
chip_gen: v7x
topology: tpu7x:2x2x1
jax: 0.10.2.dev20260603
libtpu: 0.0.44.dev20260713+nightly
codegen_flags: <defaults>
</compile_context>

<pallas_src>
import jax
import jax.numpy as jnp
from jax import lax
from jax.experimental import pallas as pl
from jax.experimental.pallas import tpu as pltpu
from jax.experimental.pallas import tpu_sc as plsc

B, R, KT, C, H = 4096, 8, 2, 8, 128
K = KT + 1
BB = 256
NC, NS, L = 2, 16, 16
NW = NC * NS
BPW = B // NW


def _sc_gather_body(tgt_hbm, c0, c1, c2, c3, o0,
                    tgt_v, idx_v, r0, r1, r2, r3, sem):
    wid = lax.axis_index("s") * NC + lax.axis_index("c")
    base = wid * BPW
    pltpu.sync_copy(tgt_hbm.at[pl.ds(base, BPW)], tgt_v)
    for i in range(BPW // L):
        tv = tgt_v[pl.ds(L * i, L)]
        bb = lax.iota(jnp.int32, L) + (base + L * i)
        idx_v[pl.ds(L * i, L)] = bb * C + tv
    copies = [pltpu.async_copy(c.at[idx_v], r, sem)
              for c, r in ((c0, r0), (c1, r1), (c2, r2), (c3, r3))]
    for cp in copies:
        cp.wait()
    for a, r in enumerate((r0, r1, r2, r3)):
        pltpu.sync_copy(r, o0.at[a, pl.ds(base, BPW)])


def _sc_gather(targets, cands):
    fn = pl.kernel(
        _sc_gather_body,
        mesh=plsc.VectorSubcoreMesh(core_axis_name="c", subcore_axis_name="s"),
        out_type=jax.ShapeDtypeStruct((4, B, H), jnp.float32),
        scratch_types=[
            pltpu.VMEM((BPW,), jnp.int32),
            pltpu.VMEM((BPW,), jnp.int32),
            pltpu.VMEM((BPW, H), jnp.float32),
            pltpu.VMEM((BPW, H), jnp.float32),
            pltpu.VMEM((BPW, H), jnp.float32),
            pltpu.VMEM((BPW, H), jnp.float32),
            pltpu.SemaphoreType.DMA,
        ],
    )
    return fn(targets, *[c.reshape(B * C, H) for c in cands])


def _rtree(x, op):
    t = op(x, pltpu.roll(x, 4, axis=1))
    t = op(t, pltpu.roll(t, 2, axis=1))
    return op(t, pltpu.roll(t, 1, axis=1))


def _fused_body(*refs):
    outs = refs[12:]
    ones_h = jnp.full((H, H), -1.0 / (K * H), dtype=jnp.float32)

    for a in range(4):
        o_ref, te_ref, ch_ref = refs[3 * a:3 * a + 3]
        o = o_ref[...]
        te = te_ref[...]
        chosen = ch_ref[0][:, None, :]
        tf = (te[:, 0:1, :], te[:, 1:2, :], chosen)

        acc = None
        for k in range(K):
            d = o[:, k] - tf[k]
            sq = d * d
            acc = sq if acc is None else acc + sq

        s = jnp.dot(acc.reshape(BB * R, H), ones_h,
                    preferred_element_type=jnp.float32).reshape(BB, R, H)
        m = _rtree(s, jnp.maximum)
        e = jnp.exp(s - m)
        w = e / _rtree(e, jnp.add)

        outs[a][...] = jnp.stack(
            [_rtree(o[:, k] * w, jnp.add)[:, 0, :] for k in range(K)],
            axis=0)


def kernel(outputs_position, tests_position, candidates_position,
           outputs_type, tests_type, candidates_type,
           outputs_size, tests_size, candidates_size,
           outputs_color, tests_color, candidates_color,
           targets):
    nb = B // BB
    chosen = _sc_gather(targets.astype(jnp.int32),
                        (candidates_position, candidates_type,
                         candidates_size, candidates_color))

    o_spec = pl.BlockSpec((BB, K, R, H), lambda i: (i, 0, 0, 0))
    t_spec = pl.BlockSpec((BB, KT, H), lambda i: (i, 0, 0))
    def ch_spec(a):
        return pl.BlockSpec((1, BB, H), lambda i, a=a: (a, i, 0))
    out_spec = pl.BlockSpec((K, BB, H), lambda i: (0, i, 0))

    in_specs = []
    operands = []
    for a, (o, te) in enumerate(
            ((outputs_position, tests_position),
             (outputs_type, tests_type),
             (outputs_size, tests_size),
             (outputs_color, tests_color))):
        in_specs += [o_spec, t_spec, ch_spec(a)]
        operands += [jnp.transpose(o, (0, 2, 1, 3)), te, chosen]

    out_shape = jax.ShapeDtypeStruct((K, B, H), jnp.float32)
    grid_spec = pl.GridSpec(
        grid=(nb,),
        in_specs=in_specs,
        out_specs=[out_spec] * 4,
    )
    outs = pl.pallas_call(
        _fused_body,
        grid_spec=grid_spec,
        out_shape=[out_shape] * 4,
        compiler_params=pltpu.CompilerParams(
            dimension_semantics=("arbitrary",)),
    )(*operands)
    return tuple(jnp.transpose(x, (1, 0, 2)) for x in outs)

# --- scband reference (transcript-rebuilt; emitter-appended) ---
"""Pipeline reference for scband-rule-selector-7292854469136 (READ-ONLY COPY).

The authoritative reference and input builder live on the scoring server;
editing this copy changes nothing except your own understanding.
"""

import jax, jax.numpy as jnp
import numpy as np

B, R, KT, C, H = 4096, 8, 2, 8, 128
TEMPERATURE = 1.0


def setup_inputs(seed: int = 0):
    key = jax.random.key(seed)
    ks = jax.random.split(key, 13)
    inp = {}
    i = 0
    for n in ['position', 'type', 'size', 'color']:
        inp['outputs_' + n] = jax.random.normal(ks[i], (B, R, KT + 1, H), dtype=jnp.float32); i += 1
        inp['tests_' + n] = jax.random.normal(ks[i], (B, KT, H), dtype=jnp.float32); i += 1
        inp['candidates_' + n] = jax.random.normal(ks[i], (B, C, H), dtype=jnp.float32); i += 1
    inp['targets'] = jax.random.randint(ks[12], (B,), 0, C)
    return inp


def _score(o, t):
    # loss_fn.score: negative MSE over the feature (last) dim -> [B, R, K]
    return -jnp.mean((o - t) ** 2, axis=-1)


def _attr_forward_weight(outputs, tests, candidates, targets):
    # train-mode 'weight' selector
    b = outputs.shape[0]
    chosen = candidates[jnp.arange(b), targets]                       # [B, H]
    tests_full = jnp.concatenate([tests, chosen[:, None, :]], axis=1)  # [B, K, H]
    tests_full = jnp.broadcast_to(
        tests_full[:, None, :, :],
        (b, outputs.shape[1], tests_full.shape[1], tests_full.shape[2]))  # [B, R, K, H]
    scores = _score(outputs, tests_full).mean(axis=-1)                # [B, R]
    weights = jax.nn.softmax(scores / TEMPERATURE, axis=-1)           # [B, R]
    return jnp.einsum('ijkh,ij->ikh', outputs, weights)               # [B, K, H]


def reference(outputs_position, tests_position, candidates_position,
              outputs_type, tests_type, candidates_type,
              outputs_size, tests_size, candidates_size,
              outputs_color, tests_color, candidates_color,
              targets):
    pos = _attr_forward_weight(outputs_position, tests_position, candidates_position, targets)
    typ = _attr_forward_weight(outputs_type, tests_type, candidates_type, targets)
    siz = _attr_forward_weight(outputs_size, tests_size, candidates_size, targets)
    col = _attr_forward_weight(outputs_color, tests_color, candidates_color, targets)
    # Scene(position, number=None, type, size, color) flattened to a tuple
    return (pos, typ, siz, col)

if __name__ == "__main__":
    import jax
    _d = setup_inputs()
    print(jax.jit(kernel)(*tuple(_d.values())))

</pallas_src>

<mosaic_0001>
#map = affine_map<(d0, d1) -> (0)>
#map1 = affine_map<(d0, d1) -> (0, 0)>
#map2 = affine_map<(d0, d1) -> (0, 0, 0)>
module attributes {stable_mosaic.version = 14 : i64} {
  func.func @_sc_gather_body(%arg0: i32, %arg1: i32, %arg2: memref<4096xi32, #tpu.memory_space<hbm>>, %arg3: memref<32768x128xf32, #tpu.memory_space<hbm>>, %arg4: memref<32768x128xf32, #tpu.memory_space<hbm>>, %arg5: memref<32768x128xf32, #tpu.memory_space<hbm>>, %arg6: memref<32768x128xf32, #tpu.memory_space<hbm>>, %arg7: memref<4x4096x128xf32, #tpu.memory_space<hbm>>, %arg8: memref<128xi32, #tpu.memory_space<vmem>>, %arg9: memref<128xi32, #tpu.memory_space<vmem>>, %arg10: memref<128x128xf32, #tpu.memory_space<vmem>>, %arg11: memref<128x128xf32, #tpu.memory_space<vmem>>, %arg12: memref<128x128xf32, #tpu.memory_space<vmem>>, %arg13: memref<128x128xf32, #tpu.memory_space<vmem>>, %arg14: memref<!tpu.dma_semaphore, #tpu.memory_space<semaphore_mem>>) attributes {dimension_semantics = [#tpu.dimension_semantics<core_parallel>, #tpu.dimension_semantics<subcore_parallel>], iteration_bounds = array<i64: 2, 16>, scalar_prefetch = 0 : i64, scratch_operands = 7 : i64, tpu.core_type = #tpu.core_type<sc_vector_subcore>, window_params = [{transform_indices = #map}, {transform_indices = #map1}, {transform_indices = #map1}, {transform_indices = #map1}, {transform_indices = #map1}, {transform_indices = #map2}]} {
    %mul3A = arith.constant 2 : i32
    %mul3A_0 = arith.muli %arg1, %mul3A : i32
    %add3A = arith.addi %mul3A_0, %arg0 : i32
    %mul3A_1 = arith.constant 128 : i32
    %mul3A_2 = arith.muli %add3A, %mul3A_1 : i32
    "tpu.region"() ({
      %run_scoped3A_153 = tpu.sem_alloc : memref<!tpu.dma_semaphore, #tpu.memory_space<semaphore_mem>>
      %dma_start3A_154 = tpu.memref_slice %arg2[%mul3A_2] : memref<4096xi32, #tpu.memory_space<hbm>> -> memref<128xi32, #tpu.memory_space<hbm>>
      %dma_start3A_155 = tpu.memref_slice %arg2[%mul3A_2] : memref<4096xi32, #tpu.memory_space<hbm>> -> memref<128xi32, #tpu.memory_space<hbm>>
      tpu.enqueue_dma source(%dma_start3A_155 : memref<128xi32, #tpu.memory_space<hbm>>) target(%arg8 : memref<128xi32, #tpu.memory_space<vmem>>) target_semaphore(%run_scoped3A_153 : memref<!tpu.dma_semaphore, #tpu.memory_space<semaphore_mem>>)
      %dma_wait3A_156 = tpu.memref_slice %arg2[%mul3A_2] : memref<4096xi32, #tpu.memory_space<hbm>> -> memref<128xi32, #tpu.memory_space<hbm>>
      %dma_wait3A_157 = tpu.memref_slice %arg2[%mul3A_2] : memref<4096xi32, #tpu.memory_space<hbm>> -> memref<128xi32, #tpu.memory_space<hbm>>
      tpu.wait_dma2 semaphore(%run_scoped3A_153 : memref<!tpu.dma_semaphore, #tpu.memory_space<semaphore_mem>>) src(%dma_wait3A_157 : memref<128xi32, #tpu.memory_space<hbm>>) dst(%arg8 : memref<128xi32, #tpu.memory_space<vmem>>)
      tpu.yield
    }) : () -> ()
    %get3A = arith.constant 0 : index
    %get3A_3 = tpu.vector_load %arg8[%get3A] {strides = array<i32>} : memref<128xi32, #tpu.memory_space<vmem>>, vector<16xi32>,
    %get3A_4 = vector.shape_cast %get3A_3 : vector<16xi32> to vector<16xi32>
    %iota3A = tpu.iota {dimensions = array<i32: 0>} : vector<16xi32>
    %add3A_5 = arith.constant 0 : i32
    %add3A_6 = arith.addi %mul3A_2, %add3A_5 : i32
    %add3A_7 = vector.broadcast %add3A_6 : i32 to vector<16xi32>
    %add3A_8 = arith.addi %iota3A, %add3A_7 : vector<16xi32>
    %mul3A_9 = arith.constant 8 : i32
    %mul3A_10 = vector.broadcast %mul3A_9 : i32 to vector<16xi32>
    %mul3A_11 = arith.muli %add3A_8, %mul3A_10 : vector<16xi32>
    %add3A_12 = arith.addi %mul3A_11, %get3A_4 : vector<16xi32>
    %swap3A = arith.constant 0 : index
    %swap3A_13 = tpu.vector_load %arg9[%swap3A] {strides = array<i32>} : memref<128xi32, #tpu.memory_space<vmem>>, vector<16xi32>,
    %swap3A_14 = vector.shape_cast %swap3A_13 : vector<16xi32> to vector<16xi32>
    %swap3A_15 = vector.shape_cast %add3A_12 : vector<16xi32> to vector<16xi32>
    tpu.vector_store %arg9[%swap3A], %swap3A_15 {strides = array<i32>} : memref<128xi32, #tpu.memory_space<vmem>>, vector<16xi32>,
    %get3A_16 = arith.constant 16 : index
    %get3A_17 = tpu.vector_load %arg8[%get3A_16] {strides = array<i32>} : memref<128xi32, #tpu.memory_space<vmem>>, vector<16xi32>,
    %get3A_18 = vector.shape_cast %get3A_17 : vector<16xi32> to vector<16xi32>
    %iota3A_19 = tpu.iota {dimensions = array<i32: 0>} : vector<16xi32>
    %add3A_20 = arith.constant 16 : i32
    %add3A_21 = arith.addi %mul3A_2, %add3A_20 : i32
    %add3A_22 = vector.broadcast %add3A_21 : i32 to vector<16xi32>
    %add3A_23 = arith.addi %iota3A_19, %add3A_22 : vector<16xi32>
    %mul3A_24 = arith.constant 8 : i32
    %mul3A_25 = vector.broadcast %mul3A_24 : i32 to vector<16xi32>
    %mul3A_26 = arith.muli %add3A_23, %mul3A_25 : vector<16xi32>
    %add3A_27 = arith.addi %mul3A_26, %get3A_18 : vector<16xi32>
    %swap3A_28 = arith.constant 16 : index
    %swap3A_29 = tpu.vector_load %arg9[%swap3A_28] {strides = array<i32>} : memref<128xi32, #tpu.memory_space<vmem>>, vector<16xi32>,
    %swap3A_30 = vector.shape_cast %swap3A_29 : vector<16xi32> to vector<16xi32>
    %swap3A_31 = vector.shape_cast %add3A_27 : vector<16xi32> to vector<16xi32>
    tpu.vector_store %arg9[%swap3A_28], %swap3A_31 {strides = array<i32>} : memref<128xi32, #tpu.memory_space<vmem>>, vector<16xi32>,
    %get3A_32 = arith.constant 32 : index
    %get3A_33 = tpu.vector_load %arg8[%get3A_32] {strides = array<i32>} : memref<128xi32, #tpu.memory_space<vmem>>, vector<16xi32>,
    %get3A_34 = vector.shape_cast %get3A_33 : vector<16xi32> to vector<16xi32>
    %iota3A_35 = tpu.iota {dimensions = array<i32: 0>} : vector<16xi32>
    %add3A_36 = arith.constant 32 : i32
    %add3A_37 = arith.addi %mul3A_2, %add3A_36 : i32
    %add3A_38 = vector.broadcast %add3A_37 : i32 to vector<16xi32>
    %add3A_39 = arith.addi %iota3A_35, %add3A_38 : vector<16xi32>
    %mul3A_40 = arith.constant 8 : i32
    %mul3A_41 = vector.broadcast %mul3A_40 : i32 to vector<16xi32>
    %mul3A_42 = arith.muli %add3A_39, %mul3A_41 : vector<16xi32>
    %add3A_43 = arith.addi %mul3A_42, %get3A_34 : vector<16xi32>
    %swap3A_44 = arith.constant 32 : index
    %swap3A_45 = tpu.vector_load %arg9[%swap3A_44] {strides = array<i32>} : memref<128xi32, #tpu.memory_space<vmem>>, vector<16xi32>,
    %swap3A_46 = vector.shape_cast %swap3A_45 : vector<16xi32> to vector<16xi32>
    %swap3A_47 = vector.shape_cast %add3A_43 : vector<16xi32> to vector<16xi32>
    tpu.vector_store %arg9[%swap3A_44], %swap3A_47 {strides = array<i32>} : memref<128xi32, #tpu.memory_space<vmem>>, vector<16xi32>,
    %get3A_48 = arith.constant 48 : index
    %get3A_49 = tpu.vector_load %arg8[%get3A_48] {strides = array<i32>} : memref<128xi32, #tpu.memory_space<vmem>>, vector<16xi32>,
    %get3A_50 = vector.shape_cast %get3A_49 : vector<16xi32> to vector<16xi32>
    %iota3A_51 = tpu.iota {dimensions = array<i32: 0>} : vector<16xi32>
    %add3A_52 = arith.constant 48 : i32
    %add3A_53 = arith.addi %mul3A_2, %add3A_52 : i32
    %add3A_54 = vector.broadcast %add3A_53 : i32 to vector<16xi32>
    %add3A_55 = arith.addi %iota3A_51, %add3A_54 : vector<16xi32>
    %mul3A_56 = arith.constant 8 : i32
    %mul3A_57 = vector.broadcast %mul3A_56 : i32 to vector<16xi32>
    %mul3A_58 = arith.muli %add3A_55, %mul3A_57 : vector<16xi32>
    %add3A_59 = arith.addi %mul3A_58, %get3A_50 : vector<16xi32>
    %swap3A_60 = arith.constant 48 : index
    %swap3A_61 = tpu.vector_load %arg9[%swap3A_60] {strides = array<i32>} : memref<128xi32, #tpu.memory_space<vmem>>, vector<16xi32>,
    %swap3A_62 = vector.shape_cast %swap3A_61 : vector<16xi32> to vector<16xi32>
    %swap3A_63 = vector.shape_cast %add3A_59 : vector<16xi32> to vector<16xi32>
    tpu.vector_store %arg9[%swap3A_60], %swap3A_63 {strides = array<i32>} : memref<128xi32, #tpu.memory_space<vmem>>, vector<16xi32>,
    %get3A_64 = arith.constant 64 : index
    %get3A_65 = tpu.vector_load %arg8[%get3A_64] {strides = array<i32>} : memref<128xi32, #tpu.memory_space<vmem>>, vector<16xi32>,
    %get3A_66 = vector.shape_cast %get3A_65 : vector<16xi32> to vector<16xi32>
    %iota3A_67 = tpu.iota {dimensions = array<i32: 0>} : vector<16xi32>
    %add3A_68 = arith.constant 64 : i32
    %add3A_69 = arith.addi %mul3A_2, %add3A_68 : i32
    %add3A_70 = vector.broadcast %add3A_69 : i32 to vector<16xi32>
    %add3A_71 = arith.addi %iota3A_67, %add3A_70 : vector<16xi32>
    %mul3A_72 = arith.constant 8 : i32
    %mul3A_73 = vector.broadcast %mul3A_72 : i32 to vector<16xi32>
    %mul3A_74 = arith.muli %add3A_71, %mul3A_73 : vector<16xi32>
    %add3A_75 = arith.addi %mul3A_74, %get3A_66 : vector<16xi32>
    %swap3A_76 = arith.constant 64 : index
    %swap3A_77 = tpu.vector_load %arg9[%swap3A_76] {strides = array<i32>} : memref<128xi32, #tpu.memory_space<vmem>>, vector<16xi32>,
    %swap3A_78 = vector.shape_cast %swap3A_77 : vector<16xi32> to vector<16xi32>
    %swap3A_79 = vector.shape_cast %add3A_75 : vector<16xi32> to vector<16xi32>
    tpu.vector_store %arg9[%swap3A_76], %swap3A_79 {strides = array<i32>} : memref<128xi32, #tpu.memory_space<vmem>>, vector<16xi32>,
    %get3A_80 = arith.constant 80 : index
    %get3A_81 = tpu.vector_load %arg8[%get3A_80] {strides = array<i32>} : memref<128xi32, #tpu.memory_space<vmem>>, vector<16xi32>,
    %get3A_82 = vector.shape_cast %get3A_81 : vector<16xi32> to vector<16xi32>
    %iota3A_83 = tpu.iota {dimensions = array<i32: 0>} : vector<16xi32>
    %add3A_84 = arith.constant 80 : i32
    %add3A_85 = arith.addi %mul3A_2, %add3A_84 : i32
    %add3A_86 = vector.broadcast %add3A_85 : i32 to vector<16xi32>
    %add3A_87 = arith.addi %iota3A_83, %add3A_86 : vector<16xi32>
    %mul3A_88 = arith.constant 8 : i32
    %mul3A_89 = vector.broadcast %mul3A_88 : i32 to vector<16xi32>
    %mul3A_90 = arith.muli %add3A_87, %mul3A_89 : vector<16xi32>
    %add3A_91 = arith.addi %mul3A_90, %get3A_82 : vector<16xi32>
    %swap3A_92 = arith.constant 80 : index
    %swap3A_93 = tpu.vector_load %arg9[%swap3A_92] {strides = array<i32>} : memref<128xi32, #tpu.memory_space<vmem>>, vector<16xi32>,
    %swap3A_94 = vector.shape_cast %swap3A_93 : vector<16xi32> to vector<16xi32>
    %swap3A_95 = vector.shape_cast %add3A_91 : vector<16xi32> to vector<16xi32>
    tpu.vector_store %arg9[%swap3A_92], %swap3A_95 {strides = array<i32>} : memref<128xi32, #tpu.memory_space<vmem>>, vector<16xi32>,
    %get3A_96 = arith.constant 96 : index
    %get3A_97 = tpu.vector_load %arg8[%get3A_96] {strides = array<i32>} : memref<128xi32, #tpu.memory_space<vmem>>, vector<16xi32>,
    %get3A_98 = vector.shape_cast %get3A_97 : vector<16xi32> to vector<16xi32>
    %iota3A_99 = tpu.iota {dimensions = array<i32: 0>} : vector<16xi32>
    %add3A_100 = arith.constant 96 : i32
    %add3A_101 = arith.addi %mul3A_2, %add3A_100 : i32
    %add3A_102 = vector.broadcast %add3A_101 : i32 to vector<16xi32>
    %add3A_103 = arith.addi %iota3A_99, %add3A_102 : vector<16xi32>
    %mul3A_104 = arith.constant 8 : i32
    %mul3A_105 = vector.broadcast %mul3A_104 : i32 to vector<16xi32>
    %mul3A_106 = arith.muli %add3A_103, %mul3A_105 : vector<16xi32>
    %add3A_107 = arith.addi %mul3A_106, %get3A_98 : vector<16xi32>
    %swap3A_108 = arith.constant 96 : index
    %swap3A_109 = tpu.vector_load %arg9[%swap3A_108] {strides = array<i32>} : memref<128xi32, #tpu.memory_space<vmem>>, vector<16xi32>,
    %swap3A_110 = vector.shape_cast %swap3A_109 : vector<16xi32> to vector<16xi32>
    %swap3A_111 = vector.shape_cast %add3A_107 : vector<16xi32> to vector<16xi32>
    tpu.vector_store %arg9[%swap3A_108], %swap3A_111 {strides = array<i32>} : memref<128xi32, #tpu.memory_space<vmem>>, vector<16xi32>,
    %get3A_112 = arith.constant 112 : index
    %get3A_113 = tpu.vector_load %arg8[%get3A_112] {strides = array<i32>} : memref<128xi32, #tpu.memory_space<vmem>>, vector<16xi32>,
    %get3A_114 = vector.shape_cast %get3A_113 : vector<16xi32> to vector<16xi32>
    %iota3A_115 = tpu.iota {dimensions = array<i32: 0>} : vector<16xi32>
    %add3A_116 = arith.constant 112 : i32
    %add3A_117 = arith.addi %mul3A_2, %add3A_116 : i32
    %add3A_118 = vector.broadcast %add3A_117 : i32 to vector<16xi32>
    %add3A_119 = arith.addi %iota3A_115, %add3A_118 : vector<16xi32>
    %mul3A_120 = arith.constant 8 : i32
    %mul3A_121 = vector.broadcast %mul3A_120 : i32 to vector<16xi32>
    %mul3A_122 = arith.muli %add3A_119, %mul3A_121 : vector<16xi32>
    %add3A_123 = arith.addi %mul3A_122, %get3A_114 : vector<16xi32>
    %swap3A_124 = arith.constant 112 : index
    %swap3A_125 = tpu.vector_load %arg9[%swap3A_124] {strides = array<i32>} : memref<128xi32, #tpu.memory_space<vmem>>, vector<16xi32>,
    %swap3A_126 = vector.shape_cast %swap3A_125 : vector<16xi32> to vector<16xi32>
    %swap3A_127 = vector.shape_cast %add3A_123 : vector<16xi32> to vector<16xi32>
    tpu.vector_store %arg9[%swap3A_124], %swap3A_127 {strides = array<i32>} : memref<128xi32, #tpu.memory_space<vmem>>, vector<16xi32>,
    %dma_start3A = arith.constant 0 : i32
    %dma_start3A_128 = arith.constant 0 : i32
    %dma_start3A_129 = tpu.memref_slice %arg3[%dma_start3A, %dma_start3A_128] : memref<32768x128xf32, #tpu.memory_space<hbm>> -> memref<32768x128xf32, #tpu.memory_space<hbm>>
    tpu.enqueue_indirect_dma source(%dma_start3A_129 : memref<32768x128xf32, #tpu.memory_space<hbm>>) target(%arg10 : memref<128x128xf32, #tpu.memory_space<vmem>>) offsets(%arg9 : memref<128xi32, #tpu.memory_space<vmem>>) semaphore(%arg14 : memref<!tpu.dma_semaphore, #tpu.memory_space<semaphore_mem>>)
    %dma_start3A_130 = arith.constant 0 : i32
    %dma_start3A_131 = arith.constant 0 : i32
    %dma_start3A_132 = tpu.memref_slice %arg4[%dma_start3A_130, %dma_start3A_131] : memref<32768x128xf32, #tpu.memory_space<hbm>> -> memref<32768x128xf32, #tpu.memory_space<hbm>>
    tpu.enqueue_indirect_dma source(%dma_start3A_132 : memref<32768x128xf32, #tpu.memory_space<hbm>>) target(%arg11 : memref<128x128xf32, #tpu.memory_space<vmem>>) offsets(%arg9 : memref<128xi32, #tpu.memory_space<vmem>>) semaphore(%arg14 : memref<!tpu.dma_semaphore, #tpu.memory_space<semaphore_mem>>)
    %dma_start3A_133 = arith.constant 0 : i32
    %dma_start3A_134 = arith.constant 0 : i32
    %dma_start3A_135 = tpu.memref_slice %arg5[%dma_start3A_133, %dma_start3A_134] : memref<32768x128xf32, #tpu.memory_space<hbm>> -> memref<32768x128xf32, #tpu.memory_space<hbm>>
    tpu.enqueue_indirect_dma source(%dma_start3A_135 : memref<32768x128xf32, #tpu.memory_space<hbm>>) target(%arg12 : memref<128x128xf32, #tpu.memory_space<vmem>>) offsets(%arg9 : memref<128xi32, #tpu.memory_space<vmem>>) semaphore(%arg14 : memref<!tpu.dma_semaphore, #tpu.memory_space<semaphore_mem>>)
    %dma_start3A_136 = arith.constant 0 : i32
    %dma_start3A_137 = arith.constant 0 : i32
    %dma_start3A_138 = tpu.memref_slice %arg6[%dma_start3A_136, %dma_start3A_137] : memref<32768x128xf32, #tpu.memory_space<hbm>> -> memref<32768x128xf32, #tpu.memory_space<hbm>>
    tpu.enqueue_indirect_dma source(%dma_start3A_138 : memref<32768x128xf32, #tpu.memory_space<hbm>>) target(%arg13 : memref<128x128xf32, #tpu.memory_space<vmem>>) offsets(%arg9 : memref<128xi32, #tpu.memory_space<vmem>>) semaphore(%arg14 : memref<!tpu.dma_semaphore, #tpu.memory_space<semaphore_mem>>)
    %dma_wait3A = arith.constant 0 : i32
    %dma_wait3A_139 = arith.constant 0 : i32
    %dma_wait3A_140 = tpu.memref_slice %arg3[%dma_wait3A, %dma_wait3A_139] : memref<32768x128xf32, #tpu.memory_space<hbm>> -> memref<32768x128xf32, #tpu.memory_space<hbm>>
    tpu.wait_indirect_dma semaphore(%arg14 : memref<!tpu.dma_semaphore, #tpu.memory_space<semaphore_mem>>) src(%dma_wait3A_140 : memref<32768x128xf32, #tpu.memory_space<hbm>>) dst(%arg10 : memref<128x128xf32, #tpu.memory_space<vmem>>)
    %dma_wait3A_141 = arith.constant 0 : i32
    %dma_wait3A_142 = arith.constant 0 : i32
    %dma_wait3A_143 = tpu.memref_slice %arg4[%dma_wait3A_141, %dma_wait3A_142] : memref<32768x128xf32, #tpu.memory_space<hbm>> -> memref<32768x128xf32, #tpu.memory_space<hbm>>
    tpu.wait_indirect_dma semaphore(%arg14 : memref<!tpu.dma_semaphore, #tpu.memory_space<semaphore_mem>>) src(%dma_wait3A_143 : memref<32768x128xf32, #tpu.memory_space<hbm>>) dst(%arg11 : memref<128x128xf32, #tpu.memory_space<vmem>>)
    %dma_wait3A_144 = arith.constant 0 : i32
    %dma_wait3A_145 = arith.constant 0 : i32
    %dma_wait3A_146 = tpu.memref_slice %arg5[%dma_wait3A_144, %dma_wait3A_145] : memref<32768x128xf32, #tpu.memory_space<hbm>> -> memref<32768x128xf32, #tpu.memory_space<hbm>>
    tpu.wait_indirect_dma semaphore(%arg14 : memref<!tpu.dma_semaphore, #tpu.memory_space<semaphore_mem>>) src(%dma_wait3A_146 : memref<32768x128xf32, #tpu.memory_space<hbm>>) dst(%arg12 : memref<128x128xf32, #tpu.memory_space<vmem>>)
    %dma_wait3A_147 = arith.constant 0 : i32
    %dma_wait3A_148 = arith.constant 0 : i32
    %dma_wait3A_149 = tpu.memref_slice %arg6[%dma_wait3A_147, %dma_wait3A_148] : memref<32768x128xf32, #tpu.memory_space<hbm>> -> memref<32768x128xf32, #tpu.memory_space<hbm>>
    tpu.wait_indirect_dma semaphore(%arg14 : memref<!tpu.dma_semaphore, #tpu.memory_space<semaphore_mem>>) src(%dma_wait3A_149 : memref<32768x128xf32, #tpu.memory_space<hbm>>) dst(%arg13 : memref<128x128xf32, #tpu.memory_space<vmem>>)
    %run_scoped3A = arith.constant 0 : i32
    "tpu.region"() ({
      %run_scoped3A_153 = tpu.sem_alloc : memref<!tpu.dma_semaphore, #tpu.memory_space<semaphore_mem>>
      %dma_start3A_154 = arith.constant 0 : i32
      %dma_start3A_155 = tpu.memref_slice %arg7[%run_scoped3A, %mul3A_2, %dma_start3A_154] : memref<4x4096x128xf32, #tpu.memory_space<hbm>> -> memref<1x128x128xf32, #tpu.memory_space<hbm>>
      %dma_start3A_156 = tpu.memref_squeeze %dma_start3A_155 : memref<1x128x128xf32, #tpu.memory_space<hbm>> -> memref<128x128xf32, #tpu.memory_space<hbm>>
      %dma_start3A_157 = arith.constant 0 : i32
      %dma_start3A_158 = tpu.memref_slice %arg7[%run_scoped3A, %mul3A_2, %dma_start3A_157] : memref<4x4096x128xf32, #tpu.memory_space<hbm>> -> memref<1x128x128xf32, #tpu.memory_space<hbm>>
      %dma_start3A_159 = tpu.memref_squeeze %dma_start3A_158 : memref<1x128x128xf32, #tpu.memory_space<hbm>> -> memref<128x128xf32, #tpu.memory_space<hbm>>
      tpu.enqueue_dma source(%arg10 : memref<128x128xf32, #tpu.memory_space<vmem>>) target(%dma_start3A_159 : memref<128x128xf32, #tpu.memory_space<hbm>>) target_semaphore(%run_scoped3A_153 : memref<!tpu.dma_semaphore, #tpu.memory_space<semaphore_mem>>)
      %dma_wait3A_160 = arith.constant 0 : i32
      %dma_wait3A_161 = tpu.memref_slice %arg7[%run_scoped3A, %mul3A_2, %dma_wait3A_160] : memref<4x4096x128xf32, #tpu.memory_space<hbm>> -> memref<1x128x128xf32, #tpu.memory_space<hbm>>
      %dma_wait3A_162 = tpu.memref_squeeze %dma_wait3A_161 : memref<1x128x128xf32, #tpu.memory_space<hbm>> -> memref<128x128xf32, #tpu.memory_space<hbm>>
      %dma_wait3A_163 = arith.constant 0 : i32
      %dma_wait3A_164 = tpu.memref_slice %arg7[%run_scoped3A, %mul3A_2, %dma_wait3A_163] : memref<4x4096x128xf32, #tpu.memory_space<hbm>> -> memref<1x128x128xf32, #tpu.memory_space<hbm>>
      %dma_wait3A_165 = tpu.memref_squeeze %dma_wait3A_164 : memref<1x128x128xf32, #tpu.memory_space<hbm>> -> memref<128x128xf32, #tpu.memory_space<hbm>>
      tpu.wait_dma2 semaphore(%run_scoped3A_153 : memref<!tpu.dma_semaphore, #tpu.memory_space<semaphore_mem>>) src(%arg10 : memref<128x128xf32, #tpu.memory_space<vmem>>) dst(%dma_wait3A_165 : memref<128x128xf32, #tpu.memory_space<hbm>>)
      tpu.yield
    }) : () -> ()
    %run_scoped3A_150 = arith.constant 1 : i32
    "tpu.region"() ({
      %run_scoped3A_153 = tpu.sem_alloc : memref<!tpu.dma_semaphore, #tpu.memory_space<semaphore_mem>>
      %dma_start3A_154 = arith.constant 0 : i32
      %dma_start3A_155 = tpu.memref_slice %arg7[%run_scoped3A_150, %mul3A_2, %dma_start3A_154] : memref<4x4096x128xf32, #tpu.memory_space<hbm>> -> memref<1x128x128xf32, #tpu.memory_space<hbm>>
      %dma_start3A_156 = tpu.memref_squeeze %dma_start3A_155 : memref<1x128x128xf32, #tpu.memory_space<hbm>> -> memref<128x128xf32, #tpu.memory_space<hbm>>
      %dma_start3A_157 = arith.constant 0 : i32
      %dma_start3A_158 = tpu.memref_slice %arg7[%run_scoped3A_150, %mul3A_2, %dma_start3A_157] : memref<4x4096x128xf32, #tpu.memory_space<hbm>> -> memref<1x128x128xf32, #tpu.memory_space<hbm>>
      %dma_start3A_159 = tpu.memref_squeeze %dma_start3A_158 : memref<1x128x128xf32, #tpu.memory_space<hbm>> -> memref<128x128xf32, #tpu.memory_space<hbm>>
      tpu.enqueue_dma source(%arg11 : memref<128x128xf32, #tpu.memory_space<vmem>>) target(%dma_start3A_159 : memref<128x128xf32, #tpu.memory_space<hbm>>) target_semaphore(%run_scoped3A_153 : memref<!tpu.dma_semaphore, #tpu.memory_space<semaphore_mem>>)
      %dma_wait3A_160 = arith.constant 0 : i32
      %dma_wait3A_161 = tpu.memref_slice %arg7[%run_scoped3A_150, %mul3A_2, %dma_wait3A_160] : memref<4x4096x128xf32, #tpu.memory_space<hbm>> -> memref<1x128x128xf32, #tpu.memory_space<hbm>>
      %dma_wait3A_162 = tpu.memref_squeeze %dma_wait3A_161 : memref<1x128x128xf32, #tpu.memory_space<hbm>> -> memref<128x128xf32, #tpu.memory_space<hbm>>
      %dma_wait3A_163 = arith.constant 0 : i32
      %dma_wait3A_164 = tpu.memref_slice %arg7[%run_scoped3A_150, %mul3A_2, %dma_wait3A_163] : memref<4x4096x128xf32, #tpu.memory_space<hbm>> -> memref<1x128x128xf32, #tpu.memory_space<hbm>>
      %dma_wait3A_165 = tpu.memref_squeeze %dma_wait3A_164 : memref<1x128x128xf32, #tpu.memory_space<hbm>> -> memref<128x128xf32, #tpu.memory_space<hbm>>
      tpu.wait_dma2 semaphore(%run_scoped3A_153 : memref<!tpu.dma_semaphore, #tpu.memory_space<semaphore_mem>>) src(%arg11 : memref<128x128xf32, #tpu.memory_space<vmem>>) dst(%dma_wait3A_165 : memref<128x128xf32, #tpu.memory_space<hbm>>)
      tpu.yield
    }) : () -> ()
    %run_scoped3A_151 = arith.constant 2 : i32
    "tpu.region"() ({
      %run_scoped3A_153 = tpu.sem_alloc : memref<!tpu.dma_semaphore, #tpu.memory_space<semaphore_mem>>
      %dma_start3A_154 = arith.constant 0 : i32
      %dma_start3A_155 = tpu.memref_slice %arg7[%run_scoped3A_151, %mul3A_2, %dma_start3A_154] : memref<4x4096x128xf32, #tpu.memory_space<hbm>> -> memref<1x128x128xf32, #tpu.memory_space<hbm>>
      %dma_start3A_156 = tpu.memref_squeeze %dma_start3A_155 : memref<1x128x128xf32, #tpu.memory_space<hbm>> -> memref<128x128xf32, #tpu.memory_space<hbm>>
      %dma_start3A_157 = arith.constant 0 : i32
      %dma_start3A_158 = tpu.memref_slice %arg7[%run_scoped3A_151, %mul3A_2, %dma_start3A_157] : memref<4x4096x128xf32, #tpu.memory_space<hbm>> -> memref<1x128x128xf32, #tpu.memory_space<hbm>>
      %dma_start3A_159 = tpu.memref_squeeze %dma_start3A_158 : memref<1x128x128xf32, #tpu.memory_space<hbm>> -> memref<128x128xf32, #tpu.memory_space<hbm>>
      tpu.enqueue_dma source(%arg12 : memref<128x128xf32, #tpu.memory_space<vmem>>) target(%dma_start3A_159 : memref<128x128xf32, #tpu.memory_space<hbm>>) target_semaphore(%run_scoped3A_153 : memref<!tpu.dma_semaphore, #tpu.memory_space<semaphore_mem>>)
      %dma_wait3A_160 = arith.constant 0 : i32
      %dma_wait3A_161 = tpu.memref_slice %arg7[%run_scoped3A_151, %mul3A_2, %dma_wait3A_160] : memref<4x4096x128xf32, #tpu.memory_space<hbm>> -> memref<1x128x128xf32, #tpu.memory_space<hbm>>
      %dma_wait3A_162 = tpu.memref_squeeze %dma_wait3A_161 : memref<1x128x128xf32, #tpu.memory_space<hbm>> -> memref<128x128xf32, #tpu.memory_space<hbm>>
      %dma_wait3A_163 = arith.constant 0 : i32
      %dma_wait3A_164 = tpu.memref_slice %arg7[%run_scoped3A_151, %mul3A_2, %dma_wait3A_163] : memref<4x4096x128xf32, #tpu.memory_space<hbm>> -> memref<1x128x128xf32, #tpu.memory_space<hbm>>
      %dma_wait3A_165 = tpu.memref_squeeze %dma_wait3A_164 : memref<1x128x128xf32, #tpu.memory_space<hbm>> -> memref<128x128xf32, #tpu.memory_space<hbm>>
      tpu.wait_dma2 semaphore(%run_scoped3A_153 : memref<!tpu.dma_semaphore, #tpu.memory_space<semaphore_mem>>) src(%arg12 : memref<128x128xf32, #tpu.memory_space<vmem>>) dst(%dma_wait3A_165 : memref<128x128xf32, #tpu.memory_space<hbm>>)
      tpu.yield
    }) : () -> ()
    %run_scoped3A_152 = arith.constant 3 : i32
    "tpu.region"() ({
      %run_scoped3A_153 = tpu.sem_alloc : memref<!tpu.dma_semaphore, #tpu.memory_space<semaphore_mem>>
      %dma_start3A_154 = arith.constant 0 : i32
      %dma_start3A_155 = tpu.memref_slice %arg7[%run_scoped3A_152, %mul3A_2, %dma_start3A_154] : memref<4x4096x128xf32, #tpu.memory_space<hbm>> -> memref<1x128x128xf32, #tpu.memory_space<hbm>>
      %dma_start3A_156 = tpu.memref_squeeze %dma_start3A_155 : memref<1x128x128xf32, #tpu.memory_space<hbm>> -> memref<128x128xf32, #tpu.memory_space<hbm>>
      %dma_start3A_157 = arith.constant 0 : i32
      %dma_start3A_158 = tpu.memref_slice %arg7[%run_scoped3A_152, %mul3A_2, %dma_start3A_157] : memref<4x4096x128xf32, #tpu.memory_space<hbm>> -> memref<1x128x128xf32, #tpu.memory_space<hbm>>
      %dma_start3A_159 = tpu.memref_squeeze %dma_start3A_158 : memref<1x128x128xf32, #tpu.memory_space<hbm>> -> memref<128x128xf32, #tpu.memory_space<hbm>>
      tpu.enqueue_dma source(%arg13 : memref<128x128xf32, #tpu.memory_space<vmem>>) target(%dma_start3A_159 : memref<128x128xf32, #tpu.memory_space<hbm>>) target_semaphore(%run_scoped3A_153 : memref<!tpu.dma_semaphore, #tpu.memory_space<semaphore_mem>>)
      %dma_wait3A_160 = arith.constant 0 : i32
      %dma_wait3A_161 = tpu.memref_slice %arg7[%run_scoped3A_152, %mul3A_2, %dma_wait3A_160] : memref<4x4096x128xf32, #tpu.memory_space<hbm>> -> memref<1x128x128xf32, #tpu.memory_space<hbm>>
      %dma_wait3A_162 = tpu.memref_squeeze %dma_wait3A_161 : memref<1x128x128xf32, #tpu.memory_space<hbm>> -> memref<128x128xf32, #tpu.memory_space<hbm>>
      %dma_wait3A_163 = arith.constant 0 : i32
      %dma_wait3A_164 = tpu.memref_slice %arg7[%run_scoped3A_152, %mul3A_2, %dma_wait3A_163] : memref<4x4096x128xf32, #tpu.memory_space<hbm>> -> memref<1x128x128xf32, #tpu.memory_space<hbm>>
      %dma_wait3A_165 = tpu.memref_squeeze %dma_wait3A_164 : memref<1x128x128xf32, #tpu.memory_space<hbm>> -> memref<128x128xf32, #tpu.memory_space<hbm>>
      tpu.wait_dma2 semaphore(%run_scoped3A_153 : memref<!tpu.dma_semaphore, #tpu.memory_space<semaphore_mem>>) src(%arg13 : memref<128x128xf32, #tpu.memory_space<vmem>>) dst(%dma_wait3A_165 : memref<128x128xf32, #tpu.memory_space<hbm>>)
      tpu.yield
    }) : () -> ()
    return
  }
}

module attributes {stable_mosaic.version = 14 : i64} {
  func.func @_fused_body(%arg0: i32, %arg1: memref<256x3x8x128xf32, #tpu.memory_space<vmem>>, %arg2: memref<256x2x128xf32, #tpu.memory_space<vmem>>, %arg3: memref<1x256x128xf32, #tpu.memory_space<vmem>>, %arg4: memref<256x3x8x128xf32, #tpu.memory_space<vmem>>, %arg5: memref<256x2x128xf32, #tpu.memory_space<vmem>>, %arg6: memref<1x256x128xf32, #tpu.memory_space<vmem>>, %arg7: memref<256x3x8x128xf32, #tpu.memory_space<vmem>>, %arg8: memref<256x2x128xf32, #tpu.memory_space<vmem>>, %arg9: memref<1x256x128xf32, #tpu.memory_space<vmem>>, %arg10: memref<256x3x8x128xf32, #tpu.memory_space<vmem>>, %arg11: memref<256x2x128xf32, #tpu.memory_space<vmem>>, %arg12: memref<1x256x128xf32, #tpu.memory_space<vmem>>, %arg13: memref<3x256x128xf32, #tpu.memory_space<vmem>>, %arg14: memref<3x256x128xf32, #tpu.memory_space<vmem>>, %arg15: memref<3x256x128xf32, #tpu.memory_space<vmem>>, %arg16: memref<3x256x128xf32, #tpu.memory_space<vmem>>) attributes {dimension_semantics = [#tpu.dimension_semantics<arbitrary>], iteration_bounds = array<i64: 16>, scalar_prefetch = 0 : i64, scratch_operands = 0 : i64, tpu.core_type = #tpu.core_type<tc>, window_params = [{transform_indices = @transform_0, window_bounds = array<i64: 256, 3, 8, 128>}, {transform_indices = @transform_1, window_bounds = array<i64: 256, 2, 128>}, {transform_indices = @transform_2, window_bounds = array<i64: 1, 256, 128>}, {transform_indices = @transform_3, window_bounds = array<i64: 256, 3, 8, 128>}, {transform_indices = @transform_4, window_bounds = array<i64: 256, 2, 128>}, {transform_indices = @transform_5, window_bounds = array<i64: 1, 256, 128>}, {transform_indices = @transform_6, window_bounds = array<i64: 256, 3, 8, 128>}, {transform_indices = @transform_7, window_bounds = array<i64: 256, 2, 128>}, {transform_indices = @transform_8, window_bounds = array<i64: 1, 256, 128>}, {transform_indices = @transform_9, window_bounds = array<i64: 256, 3, 8, 128>}, {transform_indices = @transform_10, window_bounds = array<i64: 256, 2, 128>}, {transform_indices = @transform_11, window_bounds = array<i64: 1, 256, 128>}, {transform_indices = @transform_12, window_bounds = array<i64: 3, 256, 128>}, {transform_indices = @transform_13, window_bounds = array<i64: 3, 256, 128>}, {transform_indices = @transform_14, window_bounds = array<i64: 3, 256, 128>}, {transform_indices = @transform_15, window_bounds = array<i64: 3, 256, 128>}]} {
    %broadcast_in_dim3A = arith.constant -0.00260416674 : f32
    %broadcast_in_dim3A_0 = vector.broadcast %broadcast_in_dim3A : f32 to vector<128x128xf32>
    %get3A = arith.constant 0 : index
    %get3A_1 = arith.constant 0 : index
    %get3A_2 = arith.constant 0 : index
    %get3A_3 = arith.constant 0 : index
    %get3A_4 = vector.load %arg1[%get3A, %get3A_1, %get3A_2, %get3A_3] : memref<256x3x8x128xf32, #tpu.memory_space<vmem>>, vector<256x3x8x128xf32>
    %get3A_5 = arith.constant 0 : index
    %get3A_6 = arith.constant 0 : index
    %get3A_7 = arith.constant 0 : index
    %get3A_8 = vector.load %arg2[%get3A_5, %get3A_6, %get3A_7] : memref<256x2x128xf32, #tpu.memory_space<vmem>>, vector<256x2x128xf32>
    %get3A_9 = arith.constant 0 : index
    %get3A_10 = arith.constant 0 : index
    %get3A_11 = arith.constant 0 : index
    %get3A_12 = vector.load %arg3[%get3A_9, %get3A_10, %get3A_11] : memref<1x256x128xf32, #tpu.memory_space<vmem>>, vector<1x256x128xf32>
    %get3A_13 = vector.shape_cast %get3A_12 : vector<1x256x128xf32> to vector<256x128xf32>
    %broadcast_in_dim3A_14 = vector.shape_cast %get3A_13 : vector<256x128xf32> to vector<256x1x128xf32>
    %slice3A = vector.extract_strided_slice %get3A_8 {offsets = [0, 0, 0], sizes = [256, 1, 128], strides = [1, 1, 1]} : vector<256x2x128xf32> to vector<256x1x128xf32>
    %slice3A_15 = vector.extract_strided_slice %get3A_8 {offsets = [0, 1, 0], sizes = [256, 1, 128], strides = [1, 1, 1]} : vector<256x2x128xf32> to vector<256x1x128xf32>
    %slice3A_16 = vector.extract_strided_slice %get3A_4 {offsets = [0, 0, 0, 0], sizes = [256, 1, 8, 128], strides = [1, 1, 1, 1]} : vector<256x3x8x128xf32> to vector<256x1x8x128xf32>
    %squeeze3A = vector.shape_cast %slice3A_16 : vector<256x1x8x128xf32> to vector<256x8x128xf32>
    %sub3A = vector.broadcast %slice3A : vector<256x1x128xf32> to vector<256x8x128xf32>
    %sub3A_17 = arith.subf %squeeze3A, %sub3A : vector<256x8x128xf32>
    %mul3A = arith.mulf %sub3A_17, %sub3A_17 : vector<256x8x128xf32>
    %slice3A_18 = vector.extract_strided_slice %get3A_4 {offsets = [0, 1, 0, 0], sizes = [256, 1, 8, 128], strides = [1, 1, 1, 1]} : vector<256x3x8x128xf32> to vector<256x1x8x128xf32>
    %squeeze3A_19 = vector.shape_cast %slice3A_18 : vector<256x1x8x128xf32> to vector<256x8x128xf32>
    %sub3A_20 = vector.broadcast %slice3A_15 : vector<256x1x128xf32> to vector<256x8x128xf32>
    %sub3A_21 = arith.subf %squeeze3A_19, %sub3A_20 : vector<256x8x128xf32>
    %mul3A_22 = arith.mulf %sub3A_21, %sub3A_21 : vector<256x8x128xf32>
    %add3A = arith.addf %mul3A, %mul3A_22 : vector<256x8x128xf32>
    %slice3A_23 = vector.extract_strided_slice %get3A_4 {offsets = [0, 2, 0, 0], sizes = [256, 1, 8, 128], strides = [1, 1, 1, 1]} : vector<256x3x8x128xf32> to vector<256x1x8x128xf32>
    %squeeze3A_24 = vector.shape_cast %slice3A_23 : vector<256x1x8x128xf32> to vector<256x8x128xf32>
    %sub3A_25 = vector.broadcast %broadcast_in_dim3A_14 : vector<256x1x128xf32> to vector<256x8x128xf32>
    %sub3A_26 = arith.subf %squeeze3A_24, %sub3A_25 : vector<256x8x128xf32>
    %mul3A_27 = arith.mulf %sub3A_26, %sub3A_26 : vector<256x8x128xf32>
    %add3A_28 = arith.addf %add3A, %mul3A_27 : vector<256x8x128xf32>
    %reshape3A = vector.shape_cast %add3A_28 : vector<256x8x128xf32> to vector<2048x128xf32>
    %dot_general3A = arith.constant dense<0.000000e+00> : vector<2048x128xf32>
    %dot_general3A_29 = tpu.matmul %reshape3A, %broadcast_in_dim3A_0, %dot_general3A {dimension_numbers = #tpu.dot_dimension_numbers<[1], [0], [0], [1], [0, 0, 1, 1], [], []>, transpose_lhs_hint = false} : vector<2048x128xf32>, vector<128x128xf32>, vector<2048x128xf32> -> vector<2048x128xf32>
    %reshape3A_30 = vector.shape_cast %dot_general3A_29 : vector<2048x128xf32> to vector<256x8x128xf32>
    %roll3A = arith.constant 4 : i32
    %roll3A_31 = tpu.dynamic_rotate %reshape3A_30 by %roll3A dim 1 : vector<256x8x128xf32>, i32 -> vector<256x8x128xf32>
    %max3A = arith.maximumf %reshape3A_30, %roll3A_31 : vector<256x8x128xf32>
    %roll3A_32 = arith.constant 2 : i32
    %roll3A_33 = tpu.dynamic_rotate %max3A by %roll3A_32 dim 1 : vector<256x8x128xf32>, i32 -> vector<256x8x128xf32>
    %max3A_34 = arith.maximumf %max3A, %roll3A_33 : vector<256x8x128xf32>
    %roll3A_35 = arith.constant 1 : i32
    %roll3A_36 = tpu.dynamic_rotate %max3A_34 by %roll3A_35 dim 1 : vector<256x8x128xf32>, i32 -> vector<256x8x128xf32>
    %max3A_37 = arith.maximumf %max3A_34, %roll3A_36 : vector<256x8x128xf32>
    %sub3A_38 = arith.subf %reshape3A_30, %max3A_37 : vector<256x8x128xf32>
    %exp3A = math.exp %sub3A_38 : vector<256x8x128xf32>
    %roll3A_39 = arith.constant 4 : i32
    %roll3A_40 = tpu.dynamic_rotate %exp3A by %roll3A_39 dim 1 : vector<256x8x128xf32>, i32 -> vector<256x8x128xf32>
    %add3A_41 = arith.addf %exp3A, %roll3A_40 : vector<256x8x128xf32>
    %roll3A_42 = arith.constant 2 : i32
    %roll3A_43 = tpu.dynamic_rotate %add3A_41 by %roll3A_42 dim 1 : vector<256x8x128xf32>, i32 -> vector<256x8x128xf32>
    %add3A_44 = arith.addf %add3A_41, %roll3A_43 : vector<256x8x128xf32>
    %roll3A_45 = arith.constant 1 : i32
    %roll3A_46 = tpu.dynamic_rotate %add3A_44 by %roll3A_45 dim 1 : vector<256x8x128xf32>, i32 -> vector<256x8x128xf32>
    %add3A_47 = arith.addf %add3A_44, %roll3A_46 : vector<256x8x128xf32>
    %div3A = arith.divf %exp3A, %add3A_47 : vector<256x8x128xf32>
    %slice3A_48 = vector.extract_strided_slice %get3A_4 {offsets = [0, 0, 0, 0], sizes = [256, 1, 8, 128], strides = [1, 1, 1, 1]} : vector<256x3x8x128xf32> to vector<256x1x8x128xf32>
    %squeeze3A_49 = vector.shape_cast %slice3A_48 : vector<256x1x8x128xf32> to vector<256x8x128xf32>
    %mul3A_50 = arith.mulf %squeeze3A_49, %div3A : vector<256x8x128xf32>
    %roll3A_51 = arith.constant 4 : i32
    %roll3A_52 = tpu.dynamic_rotate %mul3A_50 by %roll3A_51 dim 1 : vector<256x8x128xf32>, i32 -> vector<256x8x128xf32>
    %add3A_53 = arith.addf %mul3A_50, %roll3A_52 : vector<256x8x128xf32>
    %roll3A_54 = arith.constant 2 : i32
    %roll3A_55 = tpu.dynamic_rotate %add3A_53 by %roll3A_54 dim 1 : vector<256x8x128xf32>, i32 -> vector<256x8x128xf32>
    %add3A_56 = arith.addf %add3A_53, %roll3A_55 : vector<256x8x128xf32>
    %roll3A_57 = arith.constant 1 : i32
    %roll3A_58 = tpu.dynamic_rotate %add3A_56 by %roll3A_57 dim 1 : vector<256x8x128xf32>, i32 -> vector<256x8x128xf32>
    %add3A_59 = arith.addf %add3A_56, %roll3A_58 : vector<256x8x128xf32>
    %slice3A_60 = vector.extract_strided_slice %add3A_59 {offsets = [0, 0, 0], sizes = [256, 1, 128], strides = [1, 1, 1]} : vector<256x8x128xf32> to vector<256x1x128xf32>
    %squeeze3A_61 = vector.shape_cast %slice3A_60 : vector<256x1x128xf32> to vector<256x128xf32>
    %slice3A_62 = vector.extract_strided_slice %get3A_4 {offsets = [0, 1, 0, 0], sizes = [256, 1, 8, 128], strides = [1, 1, 1, 1]} : vector<256x3x8x128xf32> to vector<256x1x8x128xf32>
    %squeeze3A_63 = vector.shape_cast %slice3A_62 : vector<256x1x8x128xf32> to vector<256x8x128xf32>
    %mul3A_64 = arith.mulf %squeeze3A_63, %div3A : vector<256x8x128xf32>
    %roll3A_65 = arith.constant 4 : i32
    %roll3A_66 = tpu.dynamic_rotate %mul3A_64 by %roll3A_65 dim 1 : vector<256x8x128xf32>, i32 -> vector<256x8x128xf32>
    %add3A_67 = arith.addf %mul3A_64, %roll3A_66 : vector<256x8x128xf32>
    %roll3A_68 = arith.constant 2 : i32
    %roll3A_69 = tpu.dynamic_rotate %add3A_67 by %roll3A_68 dim 1 : vector<256x8x128xf32>, i32 -> vector<256x8x128xf32>
    %add3A_70 = arith.addf %add3A_67, %roll3A_69 : vector<256x8x128xf32>
    %roll3A_71 = arith.constant 1 : i32
    %roll3A_72 = tpu.dynamic_rotate %add3A_70 by %roll3A_71 dim 1 : vector<256x8x128xf32>, i32 -> vector<256x8x128xf32>
    %add3A_73 = arith.addf %add3A_70, %roll3A_72 : vector<256x8x128xf32>
    %slice3A_74 = vector.extract_strided_slice %add3A_73 {offsets = [0, 0, 0], sizes = [256, 1, 128], strides = [1, 1, 1]} : vector<256x8x128xf32> to vector<256x1x128xf32>
    %squeeze3A_75 = vector.shape_cast %slice3A_74 : vector<256x1x128xf32> to vector<256x128xf32>
    %slice3A_76 = vector.extract_strided_slice %get3A_4 {offsets = [0, 2, 0, 0], sizes = [256, 1, 8, 128], strides = [1, 1, 1, 1]} : vector<256x3x8x128xf32> to vector<256x1x8x128xf32>
    %squeeze3A_77 = vector.shape_cast %slice3A_76 : vector<256x1x8x128xf32> to vector<256x8x128xf32>
    %mul3A_78 = arith.mulf %squeeze3A_77, %div3A : vector<256x8x128xf32>
    %roll3A_79 = arith.constant 4 : i32
    %roll3A_80 = tpu.dynamic_rotate %mul3A_78 by %roll3A_79 dim 1 : vector<256x8x128xf32>, i32 -> vector<256x8x128xf32>
    %add3A_81 = arith.addf %mul3A_78, %roll3A_80 : vector<256x8x128xf32>
    %roll3A_82 = arith.constant 2 : i32
    %roll3A_83 = tpu.dynamic_rotate %add3A_81 by %roll3A_82 dim 1 : vector<256x8x128xf32>, i32 -> vector<256x8x128xf32>
    %add3A_84 = arith.addf %add3A_81, %roll3A_83 : vector<256x8x128xf32>
    %roll3A_85 = arith.constant 1 : i32
    %roll3A_86 = tpu.dynamic_rotate %add3A_84 by %roll3A_85 dim 1 : vector<256x8x128xf32>, i32 -> vector<256x8x128xf32>
    %add3A_87 = arith.addf %add3A_84, %roll3A_86 : vector<256x8x128xf32>
    %slice3A_88 = vector.extract_strided_slice %add3A_87 {offsets = [0, 0, 0], sizes = [256, 1, 128], strides = [1, 1, 1]} : vector<256x8x128xf32> to vector<256x1x128xf32>
    %squeeze3A_89 = vector.shape_cast %slice3A_88 : vector<256x1x128xf32> to vector<256x128xf32>
    %stack3A = vector.shape_cast %squeeze3A_61 : vector<256x128xf32> to vector<1x256x128xf32>
    %stack3A_90 = vector.shape_cast %squeeze3A_75 : vector<256x128xf32> to vector<1x256x128xf32>
    %stack3A_91 = vector.shape_cast %squeeze3A_89 : vector<256x128xf32> to vector<1x256x128xf32>
    %stack3A_92 = tpu.concatenate %stack3A, %stack3A_90, %stack3A_91 in 0 : vector<1x256x128xf32>, vector<1x256x128xf32>, vector<1x256x128xf32> -> vector<3x256x128xf32>
    %swap3A = arith.constant 0 : index
    %swap3A_93 = arith.constant 0 : index
    %swap3A_94 = arith.constant 0 : index
    %swap3A_95 = vector.load %arg13[%swap3A, %swap3A_93, %swap3A_94] : memref<3x256x128xf32, #tpu.memory_space<vmem>>, vector<3x256x128xf32>
    tpu.vector_store %arg13[%swap3A, %swap3A_93, %swap3A_94], %stack3A_92 {strides = array<i32>} : memref<3x256x128xf32, #tpu.memory_space<vmem>>, vector<3x256x128xf32>,
    %get3A_96 = arith.constant 0 : index
    %get3A_97 = arith.constant 0 : index
    %get3A_98 = arith.constant 0 : index
    %get3A_99 = arith.constant 0 : index
    %get3A_100 = vector.load %arg4[%get3A_96, %get3A_97, %get3A_98, %get3A_99] : memref<256x3x8x128xf32, #tpu.memory_space<vmem>>, vector<256x3x8x128xf32>
    %get3A_101 = arith.constant 0 : index
    %get3A_102 = arith.constant 0 : index
    %get3A_103 = arith.constant 0 : index
    %get3A_104 = vector.load %arg5[%get3A_101, %get3A_102, %get3A_103] : memref<256x2x128xf32, #tpu.memory_space<vmem>>, vector<256x2x128xf32>
    %get3A_105 = arith.constant 0 : index
    %get3A_106 = arith.constant 0 : index
    %get3A_107 = arith.constant 0 : index
    %get3A_108 = vector.load %arg6[%get3A_105, %get3A_106, %get3A_107] : memref<1x256x128xf32, #tpu.memory_space<vmem>>, vector<1x256x128xf32>
    %get3A_109 = vector.shape_cast %get3A_108 : vector<1x256x128xf32> to vector<256x128xf32>
    %broadcast_in_dim3A_110 = vector.shape_cast %get3A_109 : vector<256x128xf32> to vector<256x1x128xf32>
    %slice3A_111 = vector.extract_strided_slice %get3A_104 {offsets = [0, 0, 0], sizes = [256, 1, 128], strides = [1, 1, 1]} : vector<256x2x128xf32> to vector<256x1x128xf32>
    %slice3A_112 = vector.extract_strided_slice %get3A_104 {offsets = [0, 1, 0], sizes = [256, 1, 128], strides = [1, 1, 1]} : vector<256x2x128xf32> to vector<256x1x128xf32>
    %slice3A_113 = vector.extract_strided_slice %get3A_100 {offsets = [0, 0, 0, 0], sizes = [256, 1, 8, 128], strides = [1, 1, 1, 1]} : vector<256x3x8x128xf32> to vector<256x1x8x128xf32>
    %squeeze3A_114 = vector.shape_cast %slice3A_113 : vector<256x1x8x128xf32> to vector<256x8x128xf32>
    %sub3A_115 = vector.broadcast %slice3A_111 : vector<256x1x128xf32> to vector<256x8x128xf32>
    %sub3A_116 = arith.subf %squeeze3A_114, %sub3A_115 : vector<256x8x128xf32>
    %mul3A_117 = arith.mulf %sub3A_116, %sub3A_116 : vector<256x8x128xf32>
    %slice3A_118 = vector.extract_strided_slice %get3A_100 {offsets = [0, 1, 0, 0], sizes = [256, 1, 8, 128], strides = [1, 1, 1, 1]} : vector<256x3x8x128xf32> to vector<256x1x8x128xf32>
    %squeeze3A_119 = vector.shape_cast %slice3A_118 : vector<256x1x8x128xf32> to vector<256x8x128xf32>
    %sub3A_120 = vector.broadcast %slice3A_112 : vector<256x1x128xf32> to vector<256x8x128xf32>
    %sub3A_121 = arith.subf %squeeze3A_119, %sub3A_120 : vector<256x8x128xf32>
    %mul3A_122 = arith.mulf %sub3A_121, %sub3A_121 : vector<256x8x128xf32>
    %add3A_123 = arith.addf %mul3A_117, %mul3A_122 : vector<256x8x128xf32>
    %slice3A_124 = vector.extract_strided_slice %get3A_100 {offsets = [0, 2, 0, 0], sizes = [256, 1, 8, 128], strides = [1, 1, 1, 1]} : vector<256x3x8x128xf32> to vector<256x1x8x128xf32>
    %squeeze3A_125 = vector.shape_cast %slice3A_124 : vector<256x1x8x128xf32> to vector<256x8x128xf32>
    %sub3A_126 = vector.broadcast %broadcast_in_dim3A_110 : vector<256x1x128xf32> to vector<256x8x128xf32>
    %sub3A_127 = arith.subf %squeeze3A_125, %sub3A_126 : vector<256x8x128xf32>
    %mul3A_128 = arith.mulf %sub3A_127, %sub3A_127 : vector<256x8x128xf32>
    %add3A_129 = arith.addf %add3A_123, %mul3A_128 : vector<256x8x128xf32>
    %reshape3A_130 = vector.shape_cast %add3A_129 : vector<256x8x128xf32> to vector<2048x128xf32>
    %dot_general3A_131 = arith.constant dense<0.000000e+00> : vector<2048x128xf32>
    %dot_general3A_132 = tpu.matmul %reshape3A_130, %broadcast_in_dim3A_0, %dot_general3A_131 {dimension_numbers = #tpu.dot_dimension_numbers<[1], [0], [0], [1], [0, 0, 1, 1], [], []>, transpose_lhs_hint = false} : vector<2048x128xf32>, vector<128x128xf32>, vector<2048x128xf32> -> vector<2048x128xf32>
    %reshape3A_133 = vector.shape_cast %dot_general3A_132 : vector<2048x128xf32> to vector<256x8x128xf32>
    %roll3A_134 = arith.constant 4 : i32
    %roll3A_135 = tpu.dynamic_rotate %reshape3A_133 by %roll3A_134 dim 1 : vector<256x8x128xf32>, i32 -> vector<256x8x128xf32>
    %max3A_136 = arith.maximumf %reshape3A_133, %roll3A_135 : vector<256x8x128xf32>
    %roll3A_137 = arith.constant 2 : i32
    %roll3A_138 = tpu.dynamic_rotate %max3A_136 by %roll3A_137 dim 1 : vector<256x8x128xf32>, i32 -> vector<256x8x128xf32>
    %max3A_139 = arith.maximumf %max3A_136, %roll3A_138 : vector<256x8x128xf32>
    %roll3A_140 = arith.constant 1 : i32
    %roll3A_141 = tpu.dynamic_rotate %max3A_139 by %roll3A_140 dim 1 : vector<256x8x128xf32>, i32 -> vector<256x8x128xf32>
    %max3A_142 = arith.maximumf %max3A_139, %roll3A_141 : vector<256x8x128xf32>
    %sub3A_143 = arith.subf %reshape3A_133, %max3A_142 : vector<256x8x128xf32>
    %exp3A_144 = math.exp %sub3A_143 : vector<256x8x128xf32>
    %roll3A_145 = arith.constant 4 : i32
    %roll3A_146 = tpu.dynamic_rotate %exp3A_144 by %roll3A_145 dim 1 : vector<256x8x128xf32>, i32 -> vector<256x8x128xf32>
    %add3A_147 = arith.addf %exp3A_144, %roll3A_146 : vector<256x8x128xf32>
    %roll3A_148 = arith.constant 2 : i32
    %roll3A_149 = tpu.dynamic_rotate %add3A_147 by %roll3A_148 dim 1 : vector<256x8x128xf32>, i32 -> vector<256x8x128xf32>
    %add3A_150 = arith.addf %add3A_147, %roll3A_149 : vector<256x8x128xf32>
    %roll3A_151 = arith.constant 1 : i32
    %roll3A_152 = tpu.dynamic_rotate %add3A_150 by %roll3A_151 dim 1 : vector<256x8x128xf32>, i32 -> vector<256x8x128xf32>
    %add3A_153 = arith.addf %add3A_150, %roll3A_152 : vector<256x8x128xf32>
    %div3A_154 = arith.divf %exp3A_144, %add3A_153 : vector<256x8x128xf32>
    %slice3A_155 = vector.extract_strided_slice %get3A_100 {offsets = [0, 0, 0, 0], sizes = [256, 1, 8, 128], strides = [1, 1, 1, 1]} : vector<256x3x8x128xf32> to vector<256x1x8x128xf32>
    %squeeze3A_156 = vector.shape_cast %slice3A_155 : vector<256x1x8x128xf32> to vector<256x8x128xf32>
    %mul3A_157 = arith.mulf %squeeze3A_156, %div3A_154 : vector<256x8x128xf32>
    %roll3A_158 = arith.constant 4 : i32
    %roll3A_159 = tpu.dynamic_rotate %mul3A_157 by %roll3A_158 dim 1 : vector<256x8x128xf32>, i32 -> vector<256x8x128xf32>
    %add3A_160 = arith.addf %mul3A_157, %roll3A_159 : vector<256x8x128xf32>
    %roll3A_161 = arith.constant 2 : i32
    %roll3A_162 = tpu.dynamic_rotate %add3A_160 by %roll3A_161 dim 1 : vector<256x8x128xf32>, i32 -> vector<256x8x128xf32>
    %add3A_163 = arith.addf %add3A_160, %roll3A_162 : vector<256x8x128xf32>
    %roll3A_164 = arith.constant 1 : i32
    %roll3A_165 = tpu.dynamic_rotate %add3A_163 by %roll3A_164 dim 1 : vector<256x8x128xf32>, i32 -> vector<256x8x128xf32>
    %add3A_166 = arith.addf %add3A_163, %roll3A_165 : vector<256x8x128xf32>
    %slice3A_167 = vector.extract_strided_slice %add3A_166 {offsets = [0, 0, 0], sizes = [256, 1, 128], strides = [1, 1, 1]} : vector<256x8x128xf32> to vector<256x1x128xf32>
    %squeeze3A_168 = vector.shape_cast %slice3A_167 : vector<256x1x128xf32> to vector<256x128xf32>
    %slice3A_169 = vector.extract_strided_slice %get3A_100 {offsets = [0, 1, 0, 0], sizes = [256, 1, 8, 128], strides = [1, 1, 1, 1]} : vector<256x3x8x128xf32> to vector<256x1x8x128xf32>
    %squeeze3A_170 = vector.shape_cast %slice3A_169 : vector<256x1x8x128xf32> to vector<256x8x128xf32>
    %mul3A_171 = arith.mulf %squeeze3A_170, %div3A_154 : vector<256x8x128xf32>
    %roll3A_172 = arith.constant 4 : i32
    %roll3A_173 = tpu.dynamic_rotate %mul3A_171 by %roll3A_172 dim 1 : vector<256x8x128xf32>, i32 -> vector<256x8x128xf32>
    %add3A_174 = arith.addf %mul3A_171, %roll3A_173 : vector<256x8x128xf32>
    %roll3A_175 = arith.constant 2 : i32
    %roll3A_176 = tpu.dynamic_rotate %add3A_174 by %roll3A_175 dim 1 : vector<256x8x128xf32>, i32 -> vector<256x8x128xf32>
    %add3A_177 = arith.addf %add3A_174, %roll3A_176 : vector<256x8x128xf32>
    %roll3A_178 = arith.constant 1 : i32
    %roll3A_179 = tpu.dynamic_rotate %add3A_177 by %roll3A_178 dim 1 : vector<256x8x128xf32>, i32 -> vector<256x8x128xf32>
    %add3A_180 = arith.addf %add3A_177, %roll3A_179 : vector<256x8x128xf32>
    %slice3A_181 = vector.extract_strided_slice %add3A_180 {offsets = [0, 0, 0], sizes = [256, 1, 128], strides = [1, 1, 1]} : vector<256x8x128xf32> to vector<256x1x128xf32>
    %squeeze3A_182 = vector.shape_cast %slice3A_181 : vector<256x1x128xf32> to vector<256x128xf32>
    %slice3A_183 = vector.extract_strided_slice %get3A_100 {offsets = [0, 2, 0, 0], sizes = [256, 1, 8, 128], strides = [1, 1, 1, 1]} : vector<256x3x8x128xf32> to vector<256x1x8x128xf32>
    %squeeze3A_184 = vector.shape_cast %slice3A_183 : vector<256x1x8x128xf32> to vector<256x8x128xf32>
    %mul3A_185 = arith.mulf %squeeze3A_184, %div3A_154 : vector<256x8x128xf32>
    %roll3A_186 = arith.constant 4 : i32
    %roll3A_187 = tpu.dynamic_rotate %mul3A_185 by %roll3A_186 dim 1 : vector<256x8x128xf32>, i32 -> vector<256x8x128xf32>
    %add3A_188 = arith.addf %mul3A_185, %roll3A_187 : vector<256x8x128xf32>
    %roll3A_189 = arith.constant 2 : i32
    %roll3A_190 = tpu.dynamic_rotate %add3A_188 by %roll3A_189 dim 1 : vector<256x8x128xf32>, i32 -> vector<256x8x128xf32>
    %add3A_191 = arith.addf %add3A_188, %roll3A_190 : vector<256x8x128xf32>
    %roll3A_192 = arith.constant 1 : i32
    %roll3A_193 = tpu.dynamic_rotate %add3A_191 by %roll3A_192 dim 1 : vector<256x8x128xf32>, i32 -> vector<256x8x128xf32>
    %add3A_194 = arith.addf %add3A_191, %roll3A_193 : vector<256x8x128xf32>
    %slice3A_195 = vector.extract_strided_slice %add3A_194 {offsets = [0, 0, 0], sizes = [256, 1, 128], strides = [1, 1, 1]} : vector<256x8x128xf32> to vector<256x1x128xf32>
    %squeeze3A_196 = vector.shape_cast %slice3A_195 : vector<256x1x128xf32> to vector<256x128xf32>
    %stack3A_197 = vector.shape_cast %squeeze3A_168 : vector<256x128xf32> to vector<1x256x128xf32>
    %stack3A_198 = vector.shape_cast %squeeze3A_182 : vector<256x128xf32> to vector<1x256x128xf32>
    %stack3A_199 = vector.shape_cast %squeeze3A_196 : vector<256x128xf32> to vector<1x256x128xf32>
    %stack3A_200 = tpu.concatenate %stack3A_197, %stack3A_198, %stack3A_199 in 0 : vector<1x256x128xf32>, vector<1x256x128xf32>, vector<1x256x128xf32> -> vector<3x256x128xf32>
    %swap3A_201 = arith.constant 0 : index
    %swap3A_202 = arith.constant 0 : index
    %swap3A_203 = arith.constant 0 : index
    %swap3A_204 = vector.load %arg14[%swap3A_201, %swap3A_202, %swap3A_203] : memref<3x256x128xf32, #tpu.memory_space<vmem>>, vector<3x256x128xf32>
    tpu.vector_store %arg14[%swap3A_201, %swap3A_202, %swap3A_203], %stack3A_200 {strides = array<i32>} : memref<3x256x128xf32, #tpu.memory_space<vmem>>, vector<3x256x128xf32>,
    %get3A_205 = arith.constant 0 : index
    %get3A_206 = arith.constant 0 : index
    %get3A_207 = arith.constant 0 : index
    %get3A_208 = arith.constant 0 : index
    %get3A_209 = vector.load %arg7[%get3A_205, %get3A_206, %get3A_207, %get3A_208] : memref<256x3x8x128xf32, #tpu.memory_space<vmem>>, vector<256x3x8x128xf32>
    %get3A_210 = arith.constant 0 : index
    %get3A_211 = arith.constant 0 : index
    %get3A_212 = arith.constant 0 : index
    %get3A_213 = vector.load %arg8[%get3A_210, %get3A_211, %get3A_212] : memref<256x2x128xf32, #tpu.memory_space<vmem>>, vector<256x2x128xf32>
    %get3A_214 = arith.constant 0 : index
    %get3A_215 = arith.constant 0 : index
    %get3A_216 = arith.constant 0 : index
    %get3A_217 = vector.load %arg9[%get3A_214, %get3A_215, %get3A_216] : memref<1x256x128xf32, #tpu.memory_space<vmem>>, vector<1x256x128xf32>
    %get3A_218 = vector.shape_cast %get3A_217 : vector<1x256x128xf32> to vector<256x128xf32>
    %broadcast_in_dim3A_219 = vector.shape_cast %get3A_218 : vector<256x128xf32> to vector<256x1x128xf32>
    %slice3A_220 = vector.extract_strided_slice %get3A_213 {offsets = [0, 0, 0], sizes = [256, 1, 128], strides = [1, 1, 1]} : vector<256x2x128xf32> to vector<256x1x128xf32>
    %slice3A_221 = vector.extract_strided_slice %get3A_213 {offsets = [0, 1, 0], sizes = [256, 1, 128], strides = [1, 1, 1]} : vector<256x2x128xf32> to vector<256x1x128xf32>
    %slice3A_222 = vector.extract_strided_slice %get3A_209 {offsets = [0, 0, 0, 0], sizes = [256, 1, 8, 128], strides = [1, 1, 1, 1]} : vector<256x3x8x128xf32> to vector<256x1x8x128xf32>
    %squeeze3A_223 = vector.shape_cast %slice3A_222 : vector<256x1x8x128xf32> to vector<256x8x128xf32>
    %sub3A_224 = vector.broadcast %slice3A_220 : vector<256x1x128xf32> to vector<256x8x128xf32>
    %sub3A_225 = arith.subf %squeeze3A_223, %sub3A_224 : vector<256x8x128xf32>
    %mul3A_226 = arith.mulf %sub3A_225, %sub3A_225 : vector<256x8x128xf32>
    %slice3A_227 = vector.extract_strided_slice %get3A_209 {offsets = [0, 1, 0, 0], sizes = [256, 1, 8, 128], strides = [1, 1, 1, 1]} : vector<256x3x8x128xf32> to vector<256x1x8x128xf32>
    %squeeze3A_228 = vector.shape_cast %slice3A_227 : vector<256x1x8x128xf32> to vector<256x8x128xf32>
    %sub3A_229 = vector.broadcast %slice3A_221 : vector<256x1x128xf32> to vector<256x8x128xf32>
    %sub3A_230 = arith.subf %squeeze3A_228, %sub3A_229 : vector<256x8x128xf32>
    %mul3A_231 = arith.mulf %sub3A_230, %sub3A_230 : vector<256x8x128xf32>
    %add3A_232 = arith.addf %mul3A_226, %mul3A_231 : vector<256x8x128xf32>
    %slice3A_233 = vector.extract_strided_slice %get3A_209 {offsets = [0, 2, 0, 0], sizes = [256, 1, 8, 128], strides = [1, 1, 1, 1]} : vector<256x3x8x128xf32> to vector<256x1x8x128xf32>
    %squeeze3A_234 = vector.shape_cast %slice3A_233 : vector<256x1x8x128xf32> to vector<256x8x128xf32>
    %sub3A_235 = vector.broadcast %broadcast_in_dim3A_219 : vector<256x1x128xf32> to vector<256x8x128xf32>
    %sub3A_236 = arith.subf %squeeze3A_234, %sub3A_235 : vector<256x8x128xf32>
    %mul3A_237 = arith.mulf %sub3A_236, %sub3A_236 : vector<256x8x128xf32>
    %add3A_238 = arith.addf %add3A_232, %mul3A_237 : vector<256x8x128xf32>
    %reshape3A_239 = vector.shape_cast %add3A_238 : vector<256x8x128xf32> to vector<2048x128xf32>
    %dot_general3A_240 = arith.constant dense<0.000000e+00> : vector<2048x128xf32>
    %dot_general3A_241 = tpu.matmul %reshape3A_239, %broadcast_in_dim3A_0, %dot_general3A_240 {dimension_numbers = #tpu.dot_dimension_numbers<[1], [0], [0], [1], [0, 0, 1, 1], [], []>, transpose_lhs_hint = false} : vector<2048x128xf32>, vector<128x128xf32>, vector<2048x128xf32> -> vector<2048x128xf32>
    %reshape3A_242 = vector.shape_cast %dot_general3A_241 : vector<2048x128xf32> to vector<256x8x128xf32>
    %roll3A_243 = arith.constant 4 : i32
    %roll3A_244 = tpu.dynamic_rotate %reshape3A_242 by %roll3A_243 dim 1 : vector<256x8x128xf32>, i32 -> vector<256x8x128xf32>
    %max3A_245 = arith.maximumf %reshape3A_242, %roll3A_244 : vector<256x8x128xf32>
    %roll3A_246 = arith.constant 2 : i32
    %roll3A_247 = tpu.dynamic_rotate %max3A_245 by %roll3A_246 dim 1 : vector<256x8x128xf32>, i32 -> vector<256x8x128xf32>
    %max3A_248 = arith.maximumf %max3A_245, %roll3A_247 : vector<256x8x128xf32>
    %roll3A_249 = arith.constant 1 : i32
    %roll3A_250 = tpu.dynamic_rotate %max3A_248 by %roll3A_249 dim 1 : vector<256x8x128xf32>, i32 -> vector<256x8x128xf32>
    %max3A_251 = arith.maximumf %max3A_248, %roll3A_250 : vector<256x8x128xf32>
    %sub3A_252 = arith.subf %reshape3A_242, %max3A_251 : vector<256x8x128xf32>
    %exp3A_253 = math.exp %sub3A_252 : vector<256x8x128xf32>
    %roll3A_254 = arith.constant 4 : i32
    %roll3A_255 = tpu.dynamic_rotate %exp3A_253 by %roll3A_254 dim 1 : vector<256x8x128xf32>, i32 -> vector<256x8x128xf32>
    %add3A_256 = arith.addf %exp3A_253, %roll3A_255 : vector<256x8x128xf32>
    %roll3A_257 = arith.constant 2 : i32
    %roll3A_258 = tpu.dynamic_rotate %add3A_256 by %roll3A_257 dim 1 : vector<256x8x128xf32>, i32 -> vector<256x8x128xf32>
    %add3A_259 = arith.addf %add3A_256, %roll3A_258 : vector<256x8x128xf32>
    %roll3A_260 = arith.constant 1 : i32
    %roll3A_261 = tpu.dynamic_rotate %add3A_259 by %roll3A_260 dim 1 : vector<256x8x128xf32>, i32 -> vector<256x8x128xf32>
    %add3A_262 = arith.addf %add3A_259, %roll3A_261 : vector<256x8x128xf32>
    %div3A_263 = arith.divf %exp3A_253, %add3A_262 : vector<256x8x128xf32>
    %slice3A_264 = vector.extract_strided_slice %get3A_209 {offsets = [0, 0, 0, 0], sizes = [256, 1, 8, 128], strides = [1, 1, 1, 1]} : vector<256x3x8x128xf32> to vector<256x1x8x128xf32>
    %squeeze3A_265 = vector.shape_cast %slice3A_264 : vector<256x1x8x128xf32> to vector<256x8x128xf32>
    %mul3A_266 = arith.mulf %squeeze3A_265, %div3A_263 : vector<256x8x128xf32>
    %roll3A_267 = arith.constant 4 : i32
    %roll3A_268 = tpu.dynamic_rotate %mul3A_266 by %roll3A_267 dim 1 : vector<256x8x128xf32>, i32 -> vector<256x8x128xf32>
    %add3A_269 = arith.addf %mul3A_266, %roll3A_268 : vector<256x8x128xf32>
    %roll3A_270 = arith.constant 2 : i32
    %roll3A_271 = tpu.dynamic_rotate %add3A_269 by %roll3A_270 dim 1 : vector<256x8x128xf32>, i32 -> vector<256x8x128xf32>
    %add3A_272 = arith.addf %add3A_269, %roll3A_271 : vector<256x8x128xf32>
    %roll3A_273 = arith.constant 1 : i32
    %roll3A_274 = tpu.dynamic_rotate %add3A_272 by %roll3A_273 dim 1 : vector<256x8x128xf32>, i32 -> vector<256x8x128xf32>
    %add3A_275 = arith.addf %add3A_272, %roll3A_274 : vector<256x8x128xf32>
    %slice3A_276 = vector.extract_strided_slice %add3A_275 {offsets = [0, 0, 0], sizes = [256, 1, 128], strides = [1, 1, 1]} : vector<256x8x128xf32> to vector<256x1x128xf32>
    %squeeze3A_277 = vector.shape_cast %slice3A_276 : vector<256x1x128xf32> to vector<256x128xf32>
    %slice3A_278 = vector.extract_strided_slice %get3A_209 {offsets = [0, 1, 0, 0], sizes = [256, 1, 8, 128], strides = [1, 1, 1, 1]} : vector<256x3x8x128xf32> to vector<256x1x8x128xf32>
    %squeeze3A_279 = vector.shape_cast %slice3A_278 : vector<256x1x8x128xf32> to vector<256x8x128xf32>
    %mul3A_280 = arith.mulf %squeeze3A_279, %div3A_263 : vector<256x8x128xf32>
    %roll3A_281 = arith.constant 4 : i32
    %roll3A_282 = tpu.dynamic_rotate %mul3A_280 by %roll3A_281 dim 1 : vector<256x8x128xf32>, i32 -> vector<256x8x128xf32>
    %add3A_283 = arith.addf %mul3A_280, %roll3A_282 : vector<256x8x128xf32>
    %roll3A_284 = arith.constant 2 : i32
    %roll3A_285 = tpu.dynamic_rotate %add3A_283 by %roll3A_284 dim 1 : vector<256x8x128xf32>, i32 -> vector<256x8x128xf32>
    %add3A_286 = arith.addf %add3A_283, %roll3A_285 : vector<256x8x128xf32>
    %roll3A_287 = arith.constant 1 : i32
    %roll3A_288 = tpu.dynamic_rotate %add3A_286 by %roll3A_287 dim 1 : vector<256x8x128xf32>, i32 -> vector<256x8x128xf32>
    %add3A_289 = arith.addf %add3A_286, %roll3A_288 : vector<256x8x128xf32>
    %slice3A_290 = vector.extract_strided_slice %add3A_289 {offsets = [0, 0, 0], sizes = [256, 1, 128], strides = [1, 1, 1]} : vector<256x8x128xf32> to vector<256x1x128xf32>
    %squeeze3A_291 = vector.shape_cast %slice3A_290 : vector<256x1x128xf32> to vector<256x128xf32>
    %slice3A_292 = vector.extract_strided_slice %get3A_209 {offsets = [0, 2, 0, 0], sizes = [256, 1, 8, 128], strides = [1, 1, 1, 1]} : vector<256x3x8x128xf32> to vector<256x1x8x128xf32>
    %squeeze3A_293 = vector.shape_cast %slice3A_292 : vector<256x1x8x128xf32> to vector<256x8x128xf32>
    %mul3A_294 = arith.mulf %squeeze3A_293, %div3A_263 : vector<256x8x128xf32>
    %roll3A_295 = arith.constant 4 : i32
    %roll3A_296 = tpu.dynamic_rotate %mul3A_294 by %roll3A_295 dim 1 : vector<256x8x128xf32>, i32 -> vector<256x8x128xf32>
    %add3A_297 = arith.addf %mul3A_294, %roll3A_296 : vector<256x8x128xf32>
    %roll3A_298 = arith.constant 2 : i32
    %roll3A_299 = tpu.dynamic_rotate %add3A_297 by %roll3A_298 dim 1 : vector<256x8x128xf32>, i32 -> vector<256x8x128xf32>
    %add3A_300 = arith.addf %add3A_297, %roll3A_299 : vector<256x8x128xf32>
    %roll3A_301 = arith.constant 1 : i32
    %roll3A_302 = tpu.dynamic_rotate %add3A_300 by %roll3A_301 dim 1 : vector<256x8x128xf32>, i32 -> vector<256x8x128xf32>
    %add3A_303 = arith.addf %add3A_300, %roll3A_302 : vector<256x8x128xf32>
    %slice3A_304 = vector.extract_strided_slice %add3A_303 {offsets = [0, 0, 0], sizes = [256, 1, 128], strides = [1, 1, 1]} : vector<256x8x128xf32> to vector<256x1x128xf32>
    %squeeze3A_305 = vector.shape_cast %slice3A_304 : vector<256x1x128xf32> to vector<256x128xf32>
    %stack3A_306 = vector.shape_cast %squeeze3A_277 : vector<256x128xf32> to vector<1x256x128xf32>
    %stack3A_307 = vector.shape_cast %squeeze3A_291 : vector<256x128xf32> to vector<1x256x128xf32>
    %stack3A_308 = vector.shape_cast %squeeze3A_305 : vector<256x128xf32> to vector<1x256x128xf32>
    %stack3A_309 = tpu.concatenate %stack3A_306, %stack3A_307, %stack3A_308 in 0 : vector<1x256x128xf32>, vector<1x256x128xf32>, vector<1x256x128xf32> -> vector<3x256x128xf32>
    %swap3A_310 = arith.constant 0 : index
    %swap3A_311 = arith.constant 0 : index
    %swap3A_312 = arith.constant 0 : index
    %swap3A_313 = vector.load %arg15[%swap3A_310, %swap3A_311, %swap3A_312] : memref<3x256x128xf32, #tpu.memory_space<vmem>>, vector<3x256x128xf32>
    tpu.vector_store %arg15[%swap3A_310, %swap3A_311, %swap3A_312], %stack3A_309 {strides = array<i32>} : memref<3x256x128xf32, #tpu.memory_space<vmem>>, vector<3x256x128xf32>,
    %get3A_314 = arith.constant 0 : index
    %get3A_315 = arith.constant 0 : index
    %get3A_316 = arith.constant 0 : index
    %get3A_317 = arith.constant 0 : index
    %get3A_318 = vector.load %arg10[%get3A_314, %get3A_315, %get3A_316, %get3A_317] : memref<256x3x8x128xf32, #tpu.memory_space<vmem>>, vector<256x3x8x128xf32>
    %get3A_319 = arith.constant 0 : index
    %get3A_320 = arith.constant 0 : index
    %get3A_321 = arith.constant 0 : index
    %get3A_322 = vector.load %arg11[%get3A_319, %get3A_320, %get3A_321] : memref<256x2x128xf32, #tpu.memory_space<vmem>>, vector<256x2x128xf32>
    %get3A_323 = arith.constant 0 : index
    %get3A_324 = arith.constant 0 : index
    %get3A_325 = arith.constant 0 : index
    %get3A_326 = vector.load %arg12[%get3A_323, %get3A_324, %get3A_325] : memref<1x256x128xf32, #tpu.memory_space<vmem>>, vector<1x256x128xf32>
    %get3A_327 = vector.shape_cast %get3A_326 : vector<1x256x128xf32> to vector<256x128xf32>
    %broadcast_in_dim3A_328 = vector.shape_cast %get3A_327 : vector<256x128xf32> to vector<256x1x128xf32>
    %slice3A_329 = vector.extract_strided_slice %get3A_322 {offsets = [0, 0, 0], sizes = [256, 1, 128], strides = [1, 1, 1]} : vector<256x2x128xf32> to vector<256x1x128xf32>
    %slice3A_330 = vector.extract_strided_slice %get3A_322 {offsets = [0, 1, 0], sizes = [256, 1, 128], strides = [1, 1, 1]} : vector<256x2x128xf32> to vector<256x1x128xf32>
    %slice3A_331 = vector.extract_strided_slice %get3A_318 {offsets = [0, 0, 0, 0], sizes = [256, 1, 8, 128], strides = [1, 1, 1, 1]} : vector<256x3x8x128xf32> to vector<256x1x8x128xf32>
    %squeeze3A_332 = vector.shape_cast %slice3A_331 : vector<256x1x8x128xf32> to vector<256x8x128xf32>
    %sub3A_333 = vector.broadcast %slice3A_329 : vector<256x1x128xf32> to vector<256x8x128xf32>
    %sub3A_334 = arith.subf %squeeze3A_332, %sub3A_333 : vector<256x8x128xf32>
    %mul3A_335 = arith.mulf %sub3A_334, %sub3A_334 : vector<256x8x128xf32>
    %slice3A_336 = vector.extract_strided_slice %get3A_318 {offsets = [0, 1, 0, 0], sizes = [256, 1, 8, 128], strides = [1, 1, 1, 1]} : vector<256x3x8x128xf32> to vector<256x1x8x128xf32>
    %squeeze3A_337 = vector.shape_cast %slice3A_336 : vector<256x1x8x128xf32> to vector<256x8x128xf32>
    %sub3A_338 = vector.broadcast %slice3A_330 : vector<256x1x128xf32> to vector<256x8x128xf32>
    %sub3A_339 = arith.subf %squeeze3A_337, %sub3A_338 : vector<256x8x128xf32>
    %mul3A_340 = arith.mulf %sub3A_339, %sub3A_339 : vector<256x8x128xf32>
    %add3A_341 = arith.addf %mul3A_335, %mul3A_340 : vector<256x8x128xf32>
    %slice3A_342 = vector.extract_strided_slice %get3A_318 {offsets = [0, 2, 0, 0], sizes = [256, 1, 8, 128], strides = [1, 1, 1, 1]} : vector<256x3x8x128xf32> to vector<256x1x8x128xf32>
    %squeeze3A_343 = vector.shape_cast %slice3A_342 : vector<256x1x8x128xf32> to vector<256x8x128xf32>
    %sub3A_344 = vector.broadcast %broadcast_in_dim3A_328 : vector<256x1x128xf32> to vector<256x8x128xf32>
    %sub3A_345 = arith.subf %squeeze3A_343, %sub3A_344 : vector<256x8x128xf32>
    %mul3A_346 = arith.mulf %sub3A_345, %sub3A_345 : vector<256x8x128xf32>
    %add3A_347 = arith.addf %add3A_341, %mul3A_346 : vector<256x8x128xf32>
    %reshape3A_348 = vector.shape_cast %add3A_347 : vector<256x8x128xf32> to vector<2048x128xf32>
    %dot_general3A_349 = arith.constant dense<0.000000e+00> : vector<2048x128xf32>
    %dot_general3A_350 = tpu.matmul %reshape3A_348, %broadcast_in_dim3A_0, %dot_general3A_349 {dimension_numbers = #tpu.dot_dimension_numbers<[1], [0], [0], [1], [0, 0, 1, 1], [], []>, transpose_lhs_hint = false} : vector<2048x128xf32>, vector<128x128xf32>, vector<2048x128xf32> -> vector<2048x128xf32>
    %reshape3A_351 = vector.shape_cast %dot_general3A_350 : vector<2048x128xf32> to vector<256x8x128xf32>
    %roll3A_352 = arith.constant 4 : i32
    %roll3A_353 = tpu.dynamic_rotate %reshape3A_351 by %roll3A_352 dim 1 : vector<256x8x128xf32>, i32 -> vector<256x8x128xf32>
    %max3A_354 = arith.maximumf %reshape3A_351, %roll3A_353 : vector<256x8x128xf32>
    %roll3A_355 = arith.constant 2 : i32
    %roll3A_356 = tpu.dynamic_rotate %max3A_354 by %roll3A_355 dim 1 : vector<256x8x128xf32>, i32 -> vector<256x8x128xf32>
    %max3A_357 = arith.maximumf %max3A_354, %roll3A_356 : vector<256x8x128xf32>
    %roll3A_358 = arith.constant 1 : i32
    %roll3A_359 = tpu.dynamic_rotate %max3A_357 by %roll3A_358 dim 1 : vector<256x8x128xf32>, i32 -> vector<256x8x128xf32>
    %max3A_360 = arith.maximumf %max3A_357, %roll3A_359 : vector<256x8x128xf32>
    %sub3A_361 = arith.subf %reshape3A_351, %max3A_360 : vector<256x8x128xf32>
    %exp3A_362 = math.exp %sub3A_361 : vector<256x8x128xf32>
    %roll3A_363 = arith.constant 4 : i32
    %roll3A_364 = tpu.dynamic_rotate %exp3A_362 by %roll3A_363 dim 1 : vector<256x8x128xf32>, i32 -> vector<256x8x128xf32>
    %add3A_365 = arith.addf %exp3A_362, %roll3A_364 : vector<256x8x128xf32>
    %roll3A_366 = arith.constant 2 : i32
    %roll3A_367 = tpu.dynamic_rotate %add3A_365 by %roll3A_366 dim 1 : vector<256x8x128xf32>, i32 -> vector<256x8x128xf32>
    %add3A_368 = arith.addf %add3A_365, %roll3A_367 : vector<256x8x128xf32>
    %roll3A_369 = arith.constant 1 : i32
    %roll3A_370 = tpu.dynamic_rotate %add3A_368 by %roll3A_369 dim 1 : vector<256x8x128xf32>, i32 -> vector<256x8x128xf32>
    %add3A_371 = arith.addf %add3A_368, %roll3A_370 : vector<256x8x128xf32>
    %div3A_372 = arith.divf %exp3A_362, %add3A_371 : vector<256x8x128xf32>
    %slice3A_373 = vector.extract_strided_slice %get3A_318 {offsets = [0, 0, 0, 0], sizes = [256, 1, 8, 128], strides = [1, 1, 1, 1]} : vector<256x3x8x128xf32> to vector<256x1x8x128xf32>
    %squeeze3A_374 = vector.shape_cast %slice3A_373 : vector<256x1x8x128xf32> to vector<256x8x128xf32>
    %mul3A_375 = arith.mulf %squeeze3A_374, %div3A_372 : vector<256x8x128xf32>
    %roll3A_376 = arith.constant 4 : i32
    %roll3A_377 = tpu.dynamic_rotate %mul3A_375 by %roll3A_376 dim 1 : vector<256x8x128xf32>, i32 -> vector<256x8x128xf32>
    %add3A_378 = arith.addf %mul3A_375, %roll3A_377 : vector<256x8x128xf32>
    %roll3A_379 = arith.constant 2 : i32
    %roll3A_380 = tpu.dynamic_rotate %add3A_378 by %roll3A_379 dim 1 : vector<256x8x128xf32>, i32 -> vector<256x8x128xf32>
    %add3A_381 = arith.addf %add3A_378, %roll3A_380 : vector<256x8x128xf32>
    %roll3A_382 = arith.constant 1 : i32
    %roll3A_383 = tpu.dynamic_rotate %add3A_381 by %roll3A_382 dim 1 : vector<256x8x128xf32>, i32 -> vector<256x8x128xf32>
    %add3A_384 = arith.addf %add3A_381, %roll3A_383 : vector<256x8x128xf32>
    %slice3A_385 = vector.extract_strided_slice %add3A_384 {offsets = [0, 0, 0], sizes = [256, 1, 128], strides = [1, 1, 1]} : vector<256x8x128xf32> to vector<256x1x128xf32>
    %squeeze3A_386 = vector.shape_cast %slice3A_385 : vector<256x1x128xf32> to vector<256x128xf32>
    %slice3A_387 = vector.extract_strided_slice %get3A_318 {offsets = [0, 1, 0, 0], sizes = [256, 1, 8, 128], strides = [1, 1, 1, 1]} : vector<256x3x8x128xf32> to vector<256x1x8x128xf32>
    %squeeze3A_388 = vector.shape_cast %slice3A_387 : vector<256x1x8x128xf32> to vector<256x8x128xf32>
    %mul3A_389 = arith.mulf %squeeze3A_388, %div3A_372 : vector<256x8x128xf32>
    %roll3A_390 = arith.constant 4 : i32
    %roll3A_391 = tpu.dynamic_rotate %mul3A_389 by %roll3A_390 dim 1 : vector<256x8x128xf32>, i32 -> vector<256x8x128xf32>
    %add3A_392 = arith.addf %mul3A_389, %roll3A_391 : vector<256x8x128xf32>
    %roll3A_393 = arith.constant 2 : i32
    %roll3A_394 = tpu.dynamic_rotate %add3A_392 by %roll3A_393 dim 1 : vector<256x8x128xf32>, i32 -> vector<256x8x128xf32>
    %add3A_395 = arith.addf %add3A_392, %roll3A_394 : vector<256x8x128xf32>
    %roll3A_396 = arith.constant 1 : i32
    %roll3A_397 = tpu.dynamic_rotate %add3A_395 by %roll3A_396 dim 1 : vector<256x8x128xf32>, i32 -> vector<256x8x128xf32>
    %add3A_398 = arith.addf %add3A_395, %roll3A_397 : vector<256x8x128xf32>
    %slice3A_399 = vector.extract_strided_slice %add3A_398 {offsets = [0, 0, 0], sizes = [256, 1, 128], strides = [1, 1, 1]} : vector<256x8x128xf32> to vector<256x1x128xf32>
    %squeeze3A_400 = vector.shape_cast %slice3A_399 : vector<256x1x128xf32> to vector<256x128xf32>
    %slice3A_401 = vector.extract_strided_slice %get3A_318 {offsets = [0, 2, 0, 0], sizes = [256, 1, 8, 128], strides = [1, 1, 1, 1]} : vector<256x3x8x128xf32> to vector<256x1x8x128xf32>
    %squeeze3A_402 = vector.shape_cast %slice3A_401 : vector<256x1x8x128xf32> to vector<256x8x128xf32>
    %mul3A_403 = arith.mulf %squeeze3A_402, %div3A_372 : vector<256x8x128xf32>
    %roll3A_404 = arith.constant 4 : i32
    %roll3A_405 = tpu.dynamic_rotate %mul3A_403 by %roll3A_404 dim 1 : vector<256x8x128xf32>, i32 -> vector<256x8x128xf32>
    %add3A_406 = arith.addf %mul3A_403, %roll3A_405 : vector<256x8x128xf32>
    %roll3A_407 = arith.constant 2 : i32
    %roll3A_408 = tpu.dynamic_rotate %add3A_406 by %roll3A_407 dim 1 : vector<256x8x128xf32>, i32 -> vector<256x8x128xf32>
    %add3A_409 = arith.addf %add3A_406, %roll3A_408 : vector<256x8x128xf32>
    %roll3A_410 = arith.constant 1 : i32
    %roll3A_411 = tpu.dynamic_rotate %add3A_409 by %roll3A_410 dim 1 : vector<256x8x128xf32>, i32 -> vector<256x8x128xf32>
    %add3A_412 = arith.addf %add3A_409, %roll3A_411 : vector<256x8x128xf32>
    %slice3A_413 = vector.extract_strided_slice %add3A_412 {offsets = [0, 0, 0], sizes = [256, 1, 128], strides = [1, 1, 1]} : vector<256x8x128xf32> to vector<256x1x128xf32>
    %squeeze3A_414 = vector.shape_cast %slice3A_413 : vector<256x1x128xf32> to vector<256x128xf32>
    %stack3A_415 = vector.shape_cast %squeeze3A_386 : vector<256x128xf32> to vector<1x256x128xf32>
    %stack3A_416 = vector.shape_cast %squeeze3A_400 : vector<256x128xf32> to vector<1x256x128xf32>
    %stack3A_417 = vector.shape_cast %squeeze3A_414 : vector<256x128xf32> to vector<1x256x128xf32>
    %stack3A_418 = tpu.concatenate %stack3A_415, %stack3A_416, %stack3A_417 in 0 : vector<1x256x128xf32>, vector<1x256x128xf32>, vector<1x256x128xf32> -> vector<3x256x128xf32>
    %swap3A_419 = arith.constant 0 : index
    %swap3A_420 = arith.constant 0 : index
    %swap3A_421 = arith.constant 0 : index
    %swap3A_422 = vector.load %arg16[%swap3A_419, %swap3A_420, %swap3A_421] : memref<3x256x128xf32, #tpu.memory_space<vmem>>, vector<3x256x128xf32>
    tpu.vector_store %arg16[%swap3A_419, %swap3A_420, %swap3A_421], %stack3A_418 {strides = array<i32>} : memref<3x256x128xf32, #tpu.memory_space<vmem>>, vector<3x256x128xf32>,
    return
  }
  func.func @transform_0(%arg0: i32) -> (i32, i32, i32, i32) {
    %c0_i32 = arith.constant 0 : i32
    %c0_i32_0 = arith.constant 0 : i32
    %c0_i32_1 = arith.constant 0 : i32
    %c0_i32_2 = arith.constant 0 : i32
    return %arg0, %c0_i32, %c0_i32_0, %c0_i32_1 : i32, i32, i32, i32
  }
  func.func @transform_1(%arg0: i32) -> (i32, i32, i32) {
    %c0_i32 = arith.constant 0 : i32
    %c0_i32_0 = arith.constant 0 : i32
    %c0_i32_1 = arith.constant 0 : i32
    return %arg0, %c0_i32, %c0_i32_0 : i32, i32, i32
  }
  func.func @transform_2(%arg0: i32) -> (i32, i32, i32) {
    %c0_i32 = arith.constant 0 : i32
    %c0_i32_0 = arith.constant 0 : i32
    %c0_i32_1 = arith.constant 0 : i32
    return %c0_i32, %arg0, %c0_i32_0 : i32, i32, i32
  }
  func.func @transform_3(%arg0: i32) -> (i32, i32, i32, i32) {
    %c0_i32 = arith.constant 0 : i32
    %c0_i32_0 = arith.constant 0 : i32
    %c0_i32_1 = arith.constant 0 : i32
    %c0_i32_2 = arith.constant 0 : i32
    return %arg0, %c0_i32, %c0_i32_0, %c0_i32_1 : i32, i32, i32, i32
  }
  func.func @transform_4(%arg0: i32) -> (i32, i32, i32) {
    %c0_i32 = arith.constant 0 : i32
    %c0_i32_0 = arith.constant 0 : i32
    %c0_i32_1 = arith.constant 0 : i32
    return %arg0, %c0_i32, %c0_i32_0 : i32, i32, i32
  }
  func.func @transform_5(%arg0: i32) -> (i32, i32, i32) {
    %c1_i32 = arith.constant 1 : i32
    %c0_i32 = arith.constant 0 : i32
    %c0_i32_0 = arith.constant 0 : i32
    return %c1_i32, %arg0, %c0_i32 : i32, i32, i32
  }
  func.func @transform_6(%arg0: i32) -> (i32, i32, i32, i32) {
    %c0_i32 = arith.constant 0 : i32
    %c0_i32_0 = arith.constant 0 : i32
    %c0_i32_1 = arith.constant 0 : i32
    %c0_i32_2 = arith.constant 0 : i32
    return %arg0, %c0_i32, %c0_i32_0, %c0_i32_1 : i32, i32, i32, i32
  }
  func.func @transform_7(%arg0: i32) -> (i32, i32, i32) {
    %c0_i32 = arith.constant 0 : i32
    %c0_i32_0 = arith.constant 0 : i32
    %c0_i32_1 = arith.constant 0 : i32
    return %arg0, %c0_i32, %c0_i32_0 : i32, i32, i32
  }
  func.func @transform_8(%arg0: i32) -> (i32, i32, i32) {
    %c2_i32 = arith.constant 2 : i32
    %c0_i32 = arith.constant 0 : i32
    %c0_i32_0 = arith.constant 0 : i32
    return %c2_i32, %arg0, %c0_i32 : i32, i32, i32
  }
  func.func @transform_9(%arg0: i32) -> (i32, i32, i32, i32) {
    %c0_i32 = arith.constant 0 : i32
    %c0_i32_0 = arith.constant 0 : i32
    %c0_i32_1 = arith.constant 0 : i32
    %c0_i32_2 = arith.constant 0 : i32
    return %arg0, %c0_i32, %c0_i32_0, %c0_i32_1 : i32, i32, i32, i32
  }
  func.func @transform_10(%arg0: i32) -> (i32, i32, i32) {
    %c0_i32 = arith.constant 0 : i32
    %c0_i32_0 = arith.constant 0 : i32
    %c0_i32_1 = arith.constant 0 : i32
    return %arg0, %c0_i32, %c0_i32_0 : i32, i32, i32
  }
  func.func @transform_11(%arg0: i32) -> (i32, i32, i32) {
    %c3_i32 = arith.constant 3 : i32
    %c0_i32 = arith.constant 0 : i32
    %c0_i32_0 = arith.constant 0 : i32
    return %c3_i32, %arg0, %c0_i32 : i32, i32, i32
  }
  func.func @transform_12(%arg0: i32) -> (i32, i32, i32) {
    %c0_i32 = arith.constant 0 : i32
    %c0_i32_0 = arith.constant 0 : i32
    %c0_i32_1 = arith.constant 0 : i32
    return %c0_i32, %arg0, %c0_i32_0 : i32, i32, i32
  }
  func.func @transform_13(%arg0: i32) -> (i32, i32, i32) {
    %c0_i32 = arith.constant 0 : i32
    %c0_i32_0 = arith.constant 0 : i32
    %c0_i32_1 = arith.constant 0 : i32
    return %c0_i32, %arg0, %c0_i32_0 : i32, i32, i32
  }
  func.func @transform_14(%arg0: i32) -> (i32, i32, i32) {
    %c0_i32 = arith.constant 0 : i32
    %c0_i32_0 = arith.constant 0 : i32
    %c0_i32_1 = arith.constant 0 : i32
    return %c0_i32, %arg0, %c0_i32_0 : i32, i32, i32
  }
  func.func @transform_15(%arg0: i32) -> (i32, i32, i32) {
    %c0_i32 = arith.constant 0 : i32
    %c0_i32_0 = arith.constant 0 : i32
    %c0_i32_1 = arith.constant 0 : i32
    return %c0_i32, %arg0, %c0_i32_0 : i32, i32, i32
  }
}

</mosaic_0001>

<sc_bundles>
// kernel: kernel.4.cloned.1.call-start
scs
__scs_entry_jumppad:
0x0: {  	(pc) =	sbr.rel $0x88, $3  }
0x1: {  	(tag) =	ssettag $0x0;
	lr =	simm.s32 $0x1  }
0x2: {  	[smem:$0x3F94] =	sst lr;
	_ =	strace $0xD0000000  }
0x3: {  	_ = 	snop  }
0x4: {  	_ = 	snop  }
0x5: {  	_ = 	snop  }
0x6: {  	_ = 	snop  }
0x7: {  	_ = 	snop  }
__scs_overlays_trampoline_lowered:
0x8: {  	[smem:$0x3FA3] =	sst s0  }
0x9: {  	[smem:$0x3FA4] =	sst s1  }
0xa: {  	[smem:$0x3FA5] =	sst s2  }
0xb: {  	[smem:$0x3FA6] =	sst s3  }
0xc: {  	[smem:$0x3FA7] =	sst s4  }
0xd: {  	[smem:$0x3FA8] =	sst s5  }
0xe: {  	[smem:$0x3FA9] =	sst s6  }
0xf: {  	[smem:$0x3FAA] =	sst s7  }
0x10: {  	[smem:$0x3FAB] =	sst s8  }
0x11: {  	[smem:$0x3FAC] =	sst s9;
	s0 =	simm.s32 @!p0 $0x0  }
0x12: {  	s1 =	sld [smem:$0x3F92];
	s0 =	simm.s32 @p0 $0x1  }
0x13: {  	[smem:$0x3FAD] =	sst s0;
	s0 =	simm.s32 @!p1 $0x0  }
0x14: {  	s2 =	sld [smem:$0x3F91];
	s0 =	simm.s32 @p1 $0x1  }
0x15: {  	[smem:$0x3FAE] =	sst s0;
	s0 =	simm.s32 @!p2 $0x0  }
0x16: {  	s3 =	sld [smem:$0x3FDB];
	s0 =	simm.s32 @p2 $0x1  }
0x17: {  	s4 =	simm.s32 $0x1BF5;
	[smem:$0x3FB0] =	sst s0  }
0x18: {  	s0 =	sld [smem:$0x3F93];
	_ =	swait.ge [sflag:s4], $0x0  }
0x19: {  	s7 =	sld [smem:$0x3F94]  }
0x1a: {  	s8 =	sadd.s32 $0xFFFFE003, lr  }
0x1b: {  	s9 =	sadd.s32 $0xFFFFFEF7, lr;
	s5 =	simm.s32 $0xFFFFFFFF;
	p2 =	slt.u32 s8, $0xFFFFF086  }
0x1c: {  	p1 =	slt.u32 s9, $0xF7A;
	s5 =	simm.s32 @!p2 $0x0  }
0x1d: {  	s5 =	simm.s32 @p1 $0x1;
	p0 =	seq.s32 s7, s2  }
0x1e: {  	s7 =	smul.u32 @!p0 $0xF7A, s2;
	p2 =	seq.s32 @!p0 s5, $0x0  }
0x1f: {  	s9 =	smul.u32 $0xF7A, s1;
	s8 =	simm.s32 @!p0 $0x1BF5;
	p2 =	por !p2, p0  }
0x20: {  	[sflag:s8] =	ssyncset.s32 @!p0 $0xFFFFF086;
	s6 =	sadd.s32 @!p0 s3, s7;
	s7 =	simm.s32 @!p0 $0x108  }
0x21: {  	s3 =	sadd.s32 s3, s9;
	s6 =	sadd.s32 @!p0 $0x88, s6;
	s7 =	simm.s32 @p2 $0x1082  }
0x22: {  	[simem:s7], [sflag:s8] =	dma.local @!p0 [hbm:s6], $0xF7A  }
0x23: {  	s9 =	sor.u32 $0xD0000000, s2;
	s6 =	simm.s32 $0x108;
	_ =	swait.ge @!p0 [sflag:s8], $0x0  }
0x24: {  	s3 =	sadd.s32 $0x88, s3;
	s6 =	simm.s32 @!p1 $0x1082;
	[sflag:s4] =	ssyncset.s32 $0xFFFFF086  }
0x25: {  	[simem:s6], [sflag:s4] =	dma.local [hbm:s3], $0xF7A  }
0x26: {  	[smem:$0x3F94] =	sst s1;
	(tag) =	ssettag s2;
	_ =	strace s9  }
0x27: {  	s1 =	sld [smem:$0x3FA4]  }
0x28: {  	s2 =	sld [smem:$0x3FA5]  }
0x29: {  	s4 =	sld [smem:$0x3FA7]  }
0x2a: {  	p0 =	seq.s32 s5, $0x0;
	s5 =	sld [smem:$0x3FA8]  }
0x2b: {  	s6 =	sld [smem:$0x3FA9]  }
0x2c: {  	s7 =	sld [smem:$0x3FAA]  }
0x2d: {  	s3 =	simm.s32 $0x108;
	s8 =	sld [smem:$0x3FAB]  }
0x2e: {  	s3 =	simm.s32 @!p0 $0x1082;
	s9 =	sld [smem:$0x3FAC]  }
0x2f: {  	lr =	sadd.s32 s0, s3;
	s0 =	sld [smem:$0x3FA3]  }
0x30: {  	s3 =	sld [smem:$0x3FA6]  }
0x31: {  	[smem:$0x3FAF] =	sst s10  }
0x32: {  	s10 =	sld [smem:$0x3FAD];
	_ =	sdelay $0x3  }
0x33: {  	p0 =	seq.s32 s10, $0x1;
	s10 =	sld [smem:$0x3FAF];
	_ =	sdelay $0x3  }
0x34: {  	[smem:$0x3FAF] =	sst s10  }
0x35: {  	s10 =	sld [smem:$0x3FAE];
	_ =	sdelay $0x3  }
0x36: {  	p1 =	seq.s32 s10, $0x1;
	s10 =	sld [smem:$0x3FAF];
	_ =	sdelay $0x3  }
0x37: {  	[smem:$0x3FAF] =	sst s10  }
0x38: {  	s10 =	sld [smem:$0x3FB0]  }
0x39: {  	_ = 	snop;
	(pc) =	sbr.ind lr, $3  }
0x3a: {  	_ = 	snop  }
0x3b: {  	_ = 	snop  }
0x3c: {  	p2 =	seq.s32 s10, $0x1;
	s10 =	sld [smem:$0x3FAF]  }
0x3d: {  	_ =	shalt  }
0x3e: {  	_ =	shalt  }
0x3f: {  	_ =	shalt  }
0x40: {  	_ =	shalt  }
0x41: {  	_ =	shalt  }
0x42: {  	_ =	shalt  }
0x43: {  	_ =	shalt  }
0x44: {  	_ =	shalt  }
0x45: {  	_ =	shalt  }
0x46: {  	_ =	shalt  }
0x47: {  	_ =	shalt  }
0x48: {  	_ =	shalt  }
0x49: {  	_ =	shalt  }
0x4a: {  	_ =	shalt  }
0x4b: {  	_ =	shalt  }
0x4c: {  	_ =	shalt  }
0x4d: {  	_ =	shalt  }
0x4e: {  	_ =	shalt  }
0x4f: {  	_ =	shalt  }
0x50: {  	_ =	shalt  }
0x51: {  	_ =	shalt  }
0x52: {  	_ =	shalt  }
0x53: {  	_ =	shalt  }
0x54: {  	_ =	shalt  }
0x55: {  	_ =	shalt  }
0x56: {  	_ =	shalt  }
0x57: {  	_ =	shalt  }
0x58: {  	_ =	shalt  }
0x59: {  	_ =	shalt  }
0x5a: {  	_ =	shalt  }
0x5b: {  	_ =	shalt  }
0x5c: {  	_ =	shalt  }
0x5d: {  	_ =	shalt  }
0x5e: {  	_ =	shalt  }
0x5f: {  	_ =	shalt  }
0x60: {  	_ =	shalt  }
0x61: {  	_ =	shalt  }
0x62: {  	_ =	shalt  }
0x63: {  	_ =	shalt  }
0x64: {  	_ =	shalt  }
0x65: {  	_ =	shalt  }
0x66: {  	_ =	shalt  }
0x67: {  	_ =	shalt  }
0x68: {  	_ =	shalt  }
0x69: {  	_ =	shalt  }
0x6a: {  	_ =	shalt  }
0x6b: {  	_ =	shalt  }
0x6c: {  	_ =	shalt  }
0x6d: {  	_ =	shalt  }
0x6e: {  	_ =	shalt  }
0x6f: {  	_ =	shalt  }
0x70: {  	_ =	shalt  }
0x71: {  	_ =	shalt  }
0x72: {  	_ =	shalt  }
0x73: {  	_ =	shalt  }
0x74: {  	_ =	shalt  }
0x75: {  	_ =	shalt  }
0x76: {  	_ =	shalt  }
0x77: {  	_ =	shalt  }
0x78: {  	_ =	shalt  }
0x79: {  	_ =	shalt  }
0x7a: {  	_ =	shalt  }
0x7b: {  	_ =	shalt  }
0x7c: {  	_ =	shalt  }
0x7d: {  	_ =	shalt  }
0x7e: {  	_ =	shalt  }
0x7f: {  	_ =	shalt  }
0x80: {  	_ =	shalt  }
0x81: {  	_ =	shalt  }
0x82: {  	_ =	shalt  }
0x83: {  	_ =	shalt  }
0x84: {  	_ =	shalt  }
0x85: {  	_ =	shalt  }
0x86: {  	_ =	shalt  }
0x87: {  	_ =	shalt  }
.Lfunc_end0:
.L_simem_size_0:
called_computation_lowered:
.L_overlay_start_0:
0x88: {  	s2 =	sld [smem:$0x3FD9]  }
0x89: {  	s3 =	sld [smem:$0x3FFE];
	_ =	sdelay $0x1  }
0x8a: {  	s1 =	srdreg.scid  }
0x8b: {  	s0 =	sand.u32 $0x1, s1  }
0x8c: {  	s17 =	sshll.u32 s0, $0xA;
	s2 =	sadd.s32 s3, s2  }
0x8d: {  	s2 =	sadd.s32 s2, s17  }
0x8e: {  	[smem:$0x3FBB] =	sst s2  }
0x8f: {  	_ = 	snop  }
0x90: {  	s2 =	sld [smem:$0x3FC7]  }
0x91: {  	s18 =	sld [smem:$0x3FC4]  }
0x92: {  	s4 =	sld [smem:$0x3FC1]  }
0x93: {  	s5 =	sld [smem:$0x3FBE]  }
0x94: {  	s6 =	sld [smem:$0x3FBD];
	(tm) =	ssettm $0x1  }
0x95: {  	s7 =	sld [smem:$0x3FFB];
	_ =	sdelay $0x3  }
0x96: {  	_ =	strace s7  }
0x97: {  	s7 =	sld [smem:$0x3FFC];
	_ =	sdelay $0x3  }
0x98: {  	_ =	strace s7  }
0x99: {  	s7 =	sld [smem:$0x3FFD];
	_ =	sdelay $0x3  }
0x9a: {  	_ =	strace s7  }
0x9b: {  	_ =	strace $0x8FFFFFFF  }
0x9c: {  	s19 =	sld [smem:$0x3FDB];
	_ =	sdelay $0x1  }
0x9d: {  	s8 =	simm.s32 $_scs_section_size  }
0x9e: {  	s9 =	simm.s32 $_size__tile_overlayer_lowered;
	s10 =	simm.s32 $_tile_overlayer_lowered  }
0x9f: {  	s22 =	simm.s32 $0x1BFF;
	s21 =	sshll.u32 s10, $0x1;
	s7 =	sadd.s32 s8, s19  }
0xa0: {  	s11 =	simm.s32 $0x0;
	s20 =	sshll.u32 s9, $0x1;
	s9 =	sadd.s32 s21, s7  }
0xa1: {  	[timem:s11], [sflag:s22] =	dma.local [hbm:s9], s20  }
0xa2: {  	_ =	swait.ge [sflag:s22], s20  }
0xa3: {  	s8 =	ssub.s32 $0x0, s20;
	[sflag:s22] =	ssyncset.done $0x0  }
0xa4: {  	[sflag:s22] =	ssyncadd.s32 s8;
	_ =	sdelay $0x1  }
0xa5: {  	s23 =	simm.s32 $0x1B8B  }
0xa6: {  	_ =	swait.ge [sflag:s23], $0x1  }
0xa7: {  	[sflag:s23] =	ssyncset.done $0x0  }
0xa8: {  	s25 =	simm.s32 $0x1B8E;
	s24 =	sld [smem:$0x3FFE];
	[sflag:s23] =	ssyncadd.s32 $0xFFFFFFFF  }
0xa9: {  	s26 =	simm.s32 $execute0_lowered;
	[smem:$0x3FD2] =	sst s25  }
0xaa: {  	s9 =	sshll.u32 s26, $0x1;
	_ =	strace $0x80000046;
	[dreg:$0x1] =	wrdreg $0xFFFFFFFF  }
0xab: {  	s28 =	simm.s32 $_size_execute0_lowered;
	s7 =	sadd.s32 s7, s9;
	[dreg:$0x0] =	wrdreg $0x0  }
0xac: {  	s9 =	sshll.u32 s28, $0x1;
	[dreg:$0x2] =	wrdreg s7  }
0xad: {  	[dreg:$0x3] =	wrdreg s9  }
0xae: {  	[dreg:$0x4] =	wrdreg $0xC0  }
0xaf: {  	_ =	task [dreg:s11], $0x5FFFF  }
0xb0: {  	[dreg:$0x1] =	wrdreg $0xFFFFFFFF  }
0xb1: {  	[dreg:$0x0] =	wrdreg $0x60  }
0xb2: {  	[dreg:$0x2] =	wrdreg s6  }
0xb3: {  	[dreg:$0x3] =	wrdreg s2  }
0xb4: {  	[dreg:$0x4] =	wrdreg s18  }
0xb5: {  	[dreg:$0x5] =	wrdreg s4  }
0xb6: {  	[dreg:$0x6] =	wrdreg s5  }
0xb7: {  	[dreg:$0x7] =	wrdreg s24  }
0xb8: {  	[dreg:$0x8] =	wrdreg $0x9  }
0xb9: {  	_ =	task.clear_ibuf [dreg:s11], $0x9FFFF;
	_ =	strace $0x90000046  }
0xba: {  	s29 =	simm.s32 $0x9;
	_ =	strace $0x80000048  }
0xbb: {  	_ =	swait.ge [sflag:s29], $0x1  }
0xbc: {  	[sflag:s29] =	ssyncadd.s32 $0xFFFFFFFF  }
0xbd: {  	_ =	strace $0x90000048  }
0xbe: {  	_ =	sfence  }
0xbf: {  	s30 =	sld [smem:$0x0];
	_ =	sdelay $0x2  }
0xc0: {  	s31 =	sshll.u32 s1, $0xD;
	s1 =	sshrl.u32 s1, $0x2  }
0xc1: {  	s3 =	sand.u32 $0x4000, s31;
	s1 =	sadd.s32 s1, s30  }
0xc2: {  	s0 =	sor.u32 s3, s0;
	s1 =	sshll.u32 s1, $0x11  }
0xc3: {  	s0 =	sor.u32 s1, s0  }
0xc4: {  	s0 =	sadd.s32 $0x8F2B, s0  }
0xc5: {  	[sflag:s0] =	ssyncadd.remote.s32 $0x1  }
0xc6: {  	_ =	sfence.sel $0xFFFF  }
0xc7: {  	[dreg:$0x0] =	wrdreg $0xFFFFFFFF;
	(pc) =	sbr.abs _section_cstart, $3  }
0xc8: {  	[dreg:$0x1] =	wrdreg $0xFFFFFFFF  }
0xc9: {  	_ =	task.clear_ibuf [dreg:s11], $0x2FFFF;
	_ =	strace $0x9FFFFFFF  }
0xca: {  	(tm) =	ssettm $0x7FFFFFFF  }
0xcb: {  	_ =	shalt  }
tec
execute0_lowered:
.L_overlay_start_1:
0x0: {  	(tag) =	ssettag $0x1  }
0x1: {  	s7 =	rddreg [dreg:$0x0]  }
0x2: {  	s2 =	rddreg [dreg:$0x1]  }
0x3: {  	s3 =	rddreg [dreg:$0x2]  }
0x4: {  	s4 =	rddreg [dreg:$0x3];
	s1 =	srdreg.scid  }
0x5: {  	s5 =	rddreg [dreg:$0x4];
	s0 =	stileid.u32;
	s16 =	sand.u32 $0x1, s1  }
0x6: {  	s15 =	rddreg [dreg:$0x5];
	s8 =	sshll.u32 s0, $0x8;
	s9 =	sshll.u32 s16, $0x7  }
0x7: {  	s6 =	simm.s32 $0x0;
	s1 =	rddreg [dreg:$0x6];
	s17 =	sor.u32 s9, s8  }
0x8: {  	[smem:$0x7FF] =	sst s6;
	s8 =	sshrl.u32 s17, $0x3  }
0x9: {  	_ =	strace $0x80000047;
	s8 =	sadd.s32 s7, s8;
	s7 =	simm.s32 $0x2  }
0xa: {  	[tilespmem:s6], [sflag:$0x2] =	stream.linear.gather [hbm4b:s8+s6], $0x80, $0x38;
	[tilespmem:$0x10100] =	vst v63  }
0xb: {  	_ =	swait.ge [sflag:s7], $0x80  }
0xc: {  	[sflag:s7] =	ssyncset.done $0x0  }
0xd: {  	[sflag:s7] =	ssyncadd.s32 $0xFFFFFF80  }
0xe: {  	v0 =	vlaneseq.u32;
	s9 =	sor.u32 $0x10, s17;
	v2 =	vld [tilespmem:$0x70]  }
0xf: {  	v7 =	vmul.u32 $0x8, v0;
	v6 =	vmov s17;
	s10 =	sor.u32 $0x70, s17;
	s11 =	sor.u32 $0x20, s17;
	s29 =	sor.u32 $0x50, s17;
	v0 =	vmov s9;
	v3 =	vld [tilespmem:$0x30]  }
0x10: {  	s28 =	sor.u32 $0x30, s17;
	v1 =	vmov s10;
	v8 =	vmov s11;
	v10 =	vmov s29;
	v4 =	vld [tilespmem:$0x50]  }
0x11: {  	s30 =	sor.u32 $0x60, s17;
	v5 =	vshll.u32 v0, $0x3;
	v0 =	vmov s28;
	v1 =	vshll.u32 v1, $0x3;
	v9 =	vld [tilespmem:$0x60]  }
0x12: {  	v12 =	vmov s30;
	v0 =	vshll.u32 v0, $0x3;
	v1 =	vor.u32 v7, v1;
	v11 =	vld [tilespmem:$0x20]  }
0x13: {  	v10 =	vshll.u32 v10, $0x3;
	v0 =	vor.u32 v7, v0;
	v13 =	vld [tilespmem:$0x10];
	v14 =	vadd.s32 v1, v2  }
0x14: {  	v59 =	vshll.u32 v12, $0x3;
	v15 =	vld [tilespmem:$0x40];
	v2 =	vor.u32 v7, v10;
	v60 =	vadd.s32 v0, v3;
	[tilespmem:$0xF0] =	vst v14  }
0x15: {  	s31 =	sor.u32 $0x40, s17;
	v8 =	vshll.u32 v8, $0x3;
	v61 =	vld [tilespmem:$0x0];
	v3 =	vor.u32 v7, v59;
	[tilespmem:$0xB0] =	vst v60;
	v62 =	vadd.s32 v2, v4  }
0x16: {  	v4 =	vor.u32 v7, v8;
	v8 =	vmov s31;
	v9 =	vadd.s32 v3, v9;
	[tilespmem:$0xD0] =	vst v62  }
0x17: {  	v5 =	vor.u32 v7, v5;
	v8 =	vshll.u32 v8, $0x3;
	v11 =	vadd.s32 v4, v11;
	[tilespmem:$0xE0] =	vst v9  }
0x18: {  	v63 =	vshll.u32 v6, $0x3;
	v6 =	vor.u32 v7, v8;
	v8 =	vadd.s32 v5, v13;
	[tilespmem:$0xA0] =	vst v11  }
0x19: {  	v7 =	vor.u32 v7, v63;
	[tilespmem:$0x90] =	vst v8;
	v8 =	vadd.s32 v6, v15  }
0x1a: {  	v9 =	vadd.s32 v7, v61;
	[tilespmem:$0xC0] =	vst v8  }
0x1b: {  	s9 =	simm.s32 $0x80;
	s10 =	simm.s32 $0x100;
	[tilespmem:$0x80] =	vst v9  }
0x1c: {  	[tilespmem:s10], [sflag:$0x1] =	stream.indirect.gather [hbm4b:s2+s9], $0x80, s9, s9, $0xb8;
	[tilespmem:$0x10100] =	vst v63  }
0x1d: {  	s12 =	simm.s32 $0x4100  }
0x1e: {  	[tilespmem:s12], [sflag:$0x1] =	stream.indirect.gather [hbm4b:s3+s9], $0x80, s9, s9, $0xb8;
	[tilespmem:$0x10100] =	vst v63  }
0x1f: {  	s13 =	simm.s32 $0x8100  }
0x20: {  	[tilespmem:s13], [sflag:$0x1] =	stream.indirect.gather [hbm4b:s4+s9], $0x80, s9, s9, $0xb8;
	[tilespmem:$0x10100] =	vst v63  }
0x21: {  	s14 =	simm.s32 $0x1;
	s11 =	simm.s32 $0xC100  }
0x22: {  	[tilespmem:s11], [sflag:$0x1] =	stream.indirect.gather [hbm4b:s5+s9], $0x80, s9, s9, $0xb8;
	[tilespmem:$0x10100] =	vst v63  }
0x23: {  	_ =	swait.ge [sflag:s14], $0x4000  }
0x24: {  	[sflag:s14] =	ssyncset.done $0x0  }
0x25: {  	[sflag:s14] =	ssyncadd.s32 $0xFFFFC000  }
0x26: {  	_ =	swait.ge [sflag:s14], $0x4000  }
0x27: {  	[sflag:s14] =	ssyncset.done $0x0  }
0x28: {  	[sflag:s14] =	ssyncadd.s32 $0xFFFFC000  }
0x29: {  	_ =	swait.ge [sflag:s14], $0x4000  }
0x2a: {  	[sflag:s14] =	ssyncset.done $0x0  }
0x2b: {  	[sflag:s14] =	ssyncadd.s32 $0xFFFFC000  }
0x2c: {  	s16 =	ssub.s32 $0x2, s16;
	s17 =	sshll.u32 s17, $0x4;
	_ =	swait.ge [sflag:s14], $0x4000  }
0x2d: {  	s18 =	sshrl.u32 s16, $0x1;
	s17 =	sadd.s32 s17, s15;
	[sflag:s14] =	ssyncset.done $0x0  }
0x2e: {  	s18 =	ssub.s32 s16, s18;
	s15 =	sadd.s32 $0xE00, s17;
	[sflag:s14] =	ssyncadd.s32 $0xFFFFC000  }
0x2f: {  	[hbm4b:s15+s6] =	stream.linear.scatter [tilespmem:s10], [sflag:$0x2], $0x4000, $0x38;
	[tilespmem:$0x10100] =	vst v63  }
0x30: {  	s19 =	smax.u32 s18, $0x1;
	_ =	swait.ge [sflag:s7], $0x4000  }
0x31: {  	p0 =	sne.s32 s19, $0x1;
	[sflag:s7] =	ssyncset.done $0x0  }
.Ltmp0:
0x32: {  	s16 =	sadd.s32 $0x10E00, s17;
	[sflag:s7] =	ssyncadd.s32 $0xFFFFC000;
	(pc) =	sbr.rel @!p0 .LBB2_2-.Ltmp0, $4  }
0x33: {  	[hbm4b:s16+s6] =	stream.linear.scatter [tilespmem:s12], [sflag:$0x2], $0x4000, $0x38;
	[tilespmem:$0x10100] =	vst v63  }
0x34: {  	_ =	swait.ge [sflag:s7], $0x4000  }
0x35: {  	s18 =	sadd.s32 $0x20E00, s17;
	[sflag:s7] =	ssyncset.done $0x0  }
0x36: {  	s17 =	sadd.s32 $0x30E00, s17;
	s19 =	sadd.s32 $0xFFFFFFFF, s19;
	[sflag:s7] =	ssyncadd.s32 $0xFFFFC000  }
.LBB2_1:
0x37: {  	[hbm4b:s18+s6] =	stream.linear.scatter [tilespmem:s13], [sflag:$0x2], $0x4000, $0x38;
	[tilespmem:$0x10100] =	vst v63  }
0x38: {  	p0 =	sne.s32 s19, $0x1;
	s19 =	sadd.s32 $0xFFFFFFFF, s19;
	_ =	swait.ge [sflag:s7], $0x4000  }
0x39: {  	[sflag:s7] =	ssyncset.done $0x0  }
0x3a: {  	[sflag:s7] =	ssyncadd.s32 $0xFFFFC000  }
0x3b: {  	[hbm4b:s17+s6] =	stream.linear.scatter [tilespmem:s11], [sflag:$0x2], $0x4000, $0x38;
	[tilespmem:$0x10100] =	vst v63  }
0x3c: {  	_ =	swait.ge [sflag:s7], $0x4000  }
0x3d: {  	[sflag:s7] =	ssyncset.done $0x0  }
0x3e: {  	[sflag:s7] =	ssyncadd.s32 $0xFFFFC000  }
0x3f: {  	[tilespmem:s6], [sflag:$0x2] =	stream.linear.gather [hbm4b:s8+s6], $0x80, $0x38;
	[tilespmem:$0x10100] =	vst v63  }
0x40: {  	_ =	swait.ge [sflag:s7], $0x80  }
0x41: {  	[sflag:s7] =	ssyncset.done $0x0  }
0x42: {  	[sflag:s7] =	ssyncadd.s32 $0xFFFFFF80  }
0x43: {  	v8 =	vld [tilespmem:$0x70]  }
0x44: {  	v9 =	vld [tilespmem:$0x30]  }
0x45: {  	v10 =	vld [tilespmem:$0x50]  }
0x46: {  	v11 =	vld [tilespmem:$0x60]  }
0x47: {  	v12 =	vld [tilespmem:$0x20]  }
0x48: {  	v13 =	vld [tilespmem:$0x10];
	v8 =	vadd.s32 v1, v8  }
0x49: {  	v9 =	vadd.s32 v0, v9;
	v14 =	vld [tilespmem:$0x40];
	[tilespmem:$0xF0] =	vst v8  }
0x4a: {  	v8 =	vld [tilespmem:$0x0];
	[tilespmem:$0xB0] =	vst v9;
	v9 =	vadd.s32 v2, v10  }
0x4b: {  	[tilespmem:$0xD0] =	vst v9;
	v9 =	vadd.s32 v3, v11  }
0x4c: {  	v10 =	vadd.s32 v4, v12;
	[tilespmem:$0xE0] =	vst v9  }
0x4d: {  	v9 =	vadd.s32 v5, v13;
	[tilespmem:$0xA0] =	vst v10  }
0x4e: {  	[tilespmem:$0x90] =	vst v9;
	v9 =	vadd.s32 v6, v14  }
0x4f: {  	v8 =	vadd.s32 v7, v8;
	[tilespmem:$0xC0] =	vst v9  }
0x50: {  	[tilespmem:$0x80] =	vst v8  }
0x51: {  	[tilespmem:s10], [sflag:$0x1] =	stream.indirect.gather [hbm4b:s2+s9], $0x80, s9, s9, $0xb8;
	[tilespmem:$0x10100] =	vst v63  }
0x52: {  	_ = 	snop  }
0x53: {  	[tilespmem:s12], [sflag:$0x1] =	stream.indirect.gather [hbm4b:s3+s9], $0x80, s9, s9, $0xb8;
	[tilespmem:$0x10100] =	vst v63  }
0x54: {  	_ = 	snop  }
0x55: {  	[tilespmem:s13], [sflag:$0x1] =	stream.indirect.gather [hbm4b:s4+s9], $0x80, s9, s9, $0xb8;
	[tilespmem:$0x10100] =	vst v63  }
0x56: {  	_ = 	snop  }
0x57: {  	[tilespmem:s11], [sflag:$0x1] =	stream.indirect.gather [hbm4b:s5+s9], $0x80, s9, s9, $0xb8;
	[tilespmem:$0x10100] =	vst v63  }
0x58: {  	_ =	swait.ge [sflag:s14], $0x4000  }
0x59: {  	[sflag:s14] =	ssyncset.done $0x0  }
0x5a: {  	[sflag:s14] =	ssyncadd.s32 $0xFFFFC000  }
0x5b: {  	_ =	swait.ge [sflag:s14], $0x4000  }
0x5c: {  	[sflag:s14] =	ssyncset.done $0x0  }
0x5d: {  	[sflag:s14] =	ssyncadd.s32 $0xFFFFC000  }
0x5e: {  	_ =	swait.ge [sflag:s14], $0x4000  }
0x5f: {  	[sflag:s14] =	ssyncset.done $0x0  }
0x60: {  	[sflag:s14] =	ssyncadd.s32 $0xFFFFC000  }
0x61: {  	_ =	swait.ge [sflag:s14], $0x4000  }
0x62: {  	[sflag:s14] =	ssyncset.done $0x0  }
0x63: {  	[sflag:s14] =	ssyncadd.s32 $0xFFFFC000  }
0x64: {  	[hbm4b:s15+s6] =	stream.linear.scatter [tilespmem:s10], [sflag:$0x2], $0x4000, $0x38;
	[tilespmem:$0x10100] =	vst v63  }
0x65: {  	_ =	swait.ge [sflag:s7], $0x4000  }
0x66: {  	[sflag:s7] =	ssyncset.done $0x0  }
.Ltmp1:
0x67: {  	[sflag:s7] =	ssyncadd.s32 $0xFFFFC000;
	(pc) =	sbr.rel @p0 .LBB2_1-.Ltmp1, $4  }
0x68: {  	[hbm4b:s16+s6] =	stream.linear.scatter [tilespmem:s12], [sflag:$0x2], $0x4000, $0x38;
	[tilespmem:$0x10100] =	vst v63  }
0x69: {  	_ =	swait.ge [sflag:s7], $0x4000  }
0x6a: {  	[sflag:s7] =	ssyncset.done $0x0  }
0x6b: {  	[sflag:s7] =	ssyncadd.s32 $0xFFFFC000  }
.LBB2_2:
0x6c: {  	[hbm4b:s18+s6] =	stream.linear.scatter [tilespmem:s13], [sflag:$0x2], $0x4000, $0x38;
	[tilespmem:$0x10100] =	vst v63  }
0x6d: {  	_ =	swait.ge [sflag:s7], $0x4000  }
0x6e: {  	[sflag:s7] =	ssyncset.done $0x0  }
0x6f: {  	[sflag:s7] =	ssyncadd.s32 $0xFFFFC000  }
0x70: {  	[hbm4b:s17+s6] =	stream.linear.scatter [tilespmem:s11], [sflag:$0x2], $0x4000, $0x38;
	[tilespmem:$0x10100] =	vst v63  }
0x71: {  	_ =	swait.ge [sflag:s7], $0x4000  }
0x72: {  	[sflag:s7] =	ssyncset.done $0x0  }
0x73: {  	[sflag:s7] =	ssyncadd.s32 $0xFFFFC000  }
0x74: {  	_ =	sfence.sel $0x180000  }
0x75: {  	[bflag:$0x0] =	sbarrier.arrive $0xFFFF  }
0x76: {  	p0 =	sne.s32 s0, $0x0;
	_ =	strace $0x90000047  }
0x77: {  	s0 =	sadd.s32 @!p0 $0x100000, s1;
	[bflag:$0x2] =	sbarrier.arrive $0xFFFF  }
0x78: {  	[sflag:s0] =	ssyncadd.tile.s32 @!p0 $0x1;
	_ =	shalt  }
.Lfunc_end2:
_tile_overlayer_lowered:
.L_overlay_start_2:
0x79: {  	(tag) =	ssettag $0x2  }
0x7a: {  	s0 =	rddreg [dreg:$0x0];
	s2 =	stileid.u32  }
0x7b: {  	s1 =	rddreg [dreg:$0x1];
	p0 =	sne.s32 s2, $0x0  }
0x7c: {  	s3 =	rddreg [dreg:$0x2];
	[bflag:$0x3] =	sbarrier.arrive $0xFFFF;
	s2 =	simm.s32 @!p0 $0x1C02  }
0x7d: {  	[timem:s3], [sflag:s2] =	dma.local @!p0 [hbm:s0], s1  }
0x7e: {  	s0 =	simm.s32 @!p0 $0x2  }
0x7f: {  	_ =	swait.ge @!p0 [sflag:s0], s1  }
0x80: {  	s1 =	ssub.s32 @!p0 $0x0, s1;
	[sflag:s0] =	ssyncset.done @!p0 $0x0  }
0x81: {  	[sflag:s0] =	ssyncadd.s32 @!p0 s1  }
0x82: {  	[bflag:$0x3] =	sbarrier.arrive $0xFFFF  }
0x83: {  	_ =	shalt  }

</sc_bundles>
